<compile_context>
chip_gen: v7x
topology: tpu7x:2x2x1
jax: 0.10.2.dev20260603
libtpu: 0.0.44.dev20260713+nightly
codegen_flags: <defaults>
</compile_context>

<pallas_src>
import functools

import jax
import jax.numpy as jnp
from jax import lax
from jax.experimental import pallas as pl
from jax.experimental.pallas import tpu as pltpu
from jax.experimental.pallas import tpu_sc as plsc

_N = 10000
_D = 128
_E = 320000
_NC, _NS = 2, 16
_NW = _NC * _NS
_C = 80
_NBUF = 4
_EPW = _E // _NW
_NCHUNK = _EPW // _C
_NGROUP = _NCHUNK // _NBUF
_NTAIL = _NCHUNK - _NGROUP * _NBUF

_mesh = plsc.VectorSubcoreMesh(core_axis_name="c", subcore_axis_name="s")


@functools.partial(
    pl.kernel,
    mesh=_mesh,
    out_type=jax.ShapeDtypeStruct((_E, _D), jnp.float32),
    scratch_types=(
        [pltpu.VMEM_SHARED((_N, _D), jnp.float32)]
        + [pltpu.VMEM((_C,), jnp.int32) for _ in range(_NBUF)]
        + [pltpu.VMEM((_C, _D), jnp.float32) for _ in range(_NBUF)]
        + [pltpu.SemaphoreType.DMA for _ in range(_NBUF)]
        + [pltpu.SemaphoreType.DMA for _ in range(_NBUF)]
        + [pltpu.SemaphoreType.DMA for _ in range(_NBUF)]
    ),
)
def _gather_kernel(src_hbm, x_hbm, out_hbm, *scr):
    x_sp = scr[0]
    idx = scr[1:1 + _NBUF]
    rows = scr[1 + _NBUF:1 + 2 * _NBUF]
    isem = scr[1 + 2 * _NBUF:1 + 3 * _NBUF]
    gsem = scr[1 + 3 * _NBUF:1 + 4 * _NBUF]
    ssem = scr[1 + 4 * _NBUF:1 + 5 * _NBUF]

    cid = lax.axis_index("c")
    sid = lax.axis_index("s")
    wid = sid * _NC + cid
    base_w = wid * _EPW

    def idx_src(chunk):
        return src_hbm.at[pl.ds(base_w + chunk * _C, _C)]

    def out_dst(chunk):
        return out_hbm.at[pl.ds(base_w + chunk * _C, _C)]

    for b in range(_NBUF):
        pltpu.async_copy(idx_src(b), idx[b], isem[b])
    for b in range(_NBUF):
        pltpu.make_async_copy(idx_src(b), idx[b], isem[b]).wait()
        pltpu.async_copy(x_hbm.at[idx[b]], rows[b], gsem[b])

    @pl.when(sid < _NS - 1)
    def _stage_main():
        pltpu.sync_copy(
            x_hbm.at[pl.ds(sid * 624, 624)], x_sp.at[pl.ds(sid * 624, 624)]
        )

    @pl.when(sid == _NS - 1)
    def _stage_tail():
        pltpu.sync_copy(
            x_hbm.at[pl.ds((_NS - 1) * 624, _N - (_NS - 1) * 624)],
            x_sp.at[pl.ds((_NS - 1) * 624, _N - (_NS - 1) * 624)],
        )

    plsc.subcore_barrier()

    for b in range(_NBUF):
        pltpu.make_async_copy(x_hbm.at[idx[b]], rows[b], gsem[b]).wait()
        pltpu.async_copy(rows[b], out_dst(b), ssem[b])
        pltpu.async_copy(idx_src(_NBUF + b), idx[b], isem[b])

    def group(g, carry):
        first = g * _NBUF
        for b in range(_NBUF):
            pltpu.make_async_copy(idx_src(0), idx[b], isem[b]).wait()
            pltpu.make_async_copy(rows[b], out_dst(0), ssem[b]).wait()
            pltpu.async_copy(x_sp.at[idx[b]], rows[b], gsem[b])
        for b in range(_NBUF):
            pltpu.make_async_copy(x_sp.at[idx[b]], rows[b], gsem[b]).wait()
            pltpu.async_copy(rows[b], out_dst(first + b), ssem[b])

            @pl.when(g < _NGROUP - 1)
            def _next_idx(b=b, g=g):
                pltpu.async_copy(idx_src(first + _NBUF + b), idx[b], isem[b])

        return carry

    lax.fori_loop(1, _NGROUP, group, 0)

    for t in range(_NTAIL):
        chunk = _NGROUP * _NBUF + t
        pltpu.async_copy(idx_src(chunk), idx[t], isem[t])
        pltpu.make_async_copy(idx_src(chunk), idx[t], isem[t]).wait()
        pltpu.make_async_copy(rows[t], out_dst(0), ssem[t]).wait()
        pltpu.async_copy(x_sp.at[idx[t]], rows[t], gsem[t])
        pltpu.make_async_copy(x_sp.at[idx[t]], rows[t], gsem[t]).wait()
        pltpu.async_copy(rows[t], out_dst(chunk), ssem[t])

    for b in range(_NBUF):
        pltpu.make_async_copy(rows[b], out_dst(0), ssem[b]).wait()


def kernel(x, edge_index):
    src = edge_index.astype(jnp.int32).reshape(-1)
    messages = _gather_kernel(src, x)
    return (x, edge_index, messages)

# --- scband reference (transcript-rebuilt; emitter-appended) ---
"""Pipeline reference for scband-message-generation-12953621365420 (READ-ONLY COPY).

The authoritative reference and input builder live on the scoring server;
editing this copy changes nothing except your own understanding.
"""

import jax, jax.numpy as jnp
import numpy as np

N_NODES = 10000
D_FEAT = 128
N_EDGES = 320000


def setup_inputs(seed: int = 0) -> dict:
    key = jax.random.key(seed)
    k_x, k_e = jax.random.split(key)
    x = jax.random.normal(k_x, (N_NODES, D_FEAT), dtype=jnp.float32)
    edge_index = jax.random.randint(k_e, (2, N_EDGES), 0, N_NODES, dtype=jnp.int64)
    return {"x": x, "edge_index": edge_index}


def _message(x_j):
    # identity message function, faithful to the torch module
    return x_j


def reference(x, edge_index):
    source_nodes = edge_index[0]
    x_j = jnp.take(x, source_nodes, axis=0)  # gather source-node features
    messages = _message(x_j)
    return (x, edge_index, messages)

if __name__ == "__main__":
    import jax
    _d = setup_inputs()
    print(jax.jit(kernel)(*tuple(_d.values())))

</pallas_src>

<mosaic_0001>
#map = affine_map<(d0, d1) -> (0)>
#map1 = affine_map<(d0, d1) -> (0, 0)>
module attributes {stable_mosaic.version = 14 : i64} {
  func.func @_gather_kernel(%arg0: i32, %arg1: i32, %arg2: memref<640000xi32, #tpu.memory_space<hbm>>, %arg3: memref<10000x128xf32, #tpu.memory_space<hbm>>, %arg4: memref<320000x128xf32, #tpu.memory_space<hbm>>, %arg5: memref<10000x128xf32, #tpu.memory_space<vmem_shared>>, %arg6: memref<80xi32, #tpu.memory_space<vmem>>, %arg7: memref<80xi32, #tpu.memory_space<vmem>>, %arg8: memref<80xi32, #tpu.memory_space<vmem>>, %arg9: memref<80xi32, #tpu.memory_space<vmem>>, %arg10: memref<80x128xf32, #tpu.memory_space<vmem>>, %arg11: memref<80x128xf32, #tpu.memory_space<vmem>>, %arg12: memref<80x128xf32, #tpu.memory_space<vmem>>, %arg13: memref<80x128xf32, #tpu.memory_space<vmem>>, %arg14: memref<!tpu.dma_semaphore, #tpu.memory_space<semaphore_mem>>, %arg15: memref<!tpu.dma_semaphore, #tpu.memory_space<semaphore_mem>>, %arg16: memref<!tpu.dma_semaphore, #tpu.memory_space<semaphore_mem>>, %arg17: memref<!tpu.dma_semaphore, #tpu.memory_space<semaphore_mem>>, %arg18: memref<!tpu.dma_semaphore, #tpu.memory_space<semaphore_mem>>, %arg19: memref<!tpu.dma_semaphore, #tpu.memory_space<semaphore_mem>>, %arg20: memref<!tpu.dma_semaphore, #tpu.memory_space<semaphore_mem>>, %arg21: memref<!tpu.dma_semaphore, #tpu.memory_space<semaphore_mem>>, %arg22: memref<!tpu.dma_semaphore, #tpu.memory_space<semaphore_mem>>, %arg23: memref<!tpu.dma_semaphore, #tpu.memory_space<semaphore_mem>>, %arg24: memref<!tpu.dma_semaphore, #tpu.memory_space<semaphore_mem>>, %arg25: memref<!tpu.dma_semaphore, #tpu.memory_space<semaphore_mem>>) attributes {dimension_semantics = [#tpu.dimension_semantics<core_parallel>, #tpu.dimension_semantics<subcore_parallel>], iteration_bounds = array<i64: 2, 16>, scalar_prefetch = 0 : i64, scratch_operands = 21 : i64, tpu.core_type = #tpu.core_type<sc_vector_subcore>, window_params = [{transform_indices = #map}, {transform_indices = #map1}, {transform_indices = #map1}]} {
    %mul3A = arith.constant 2 : i32
    %mul3A_0 = arith.muli %arg1, %mul3A : i32
    %add3A = arith.addi %mul3A_0, %arg0 : i32
    %mul3A_1 = arith.constant 10000 : i32
    %mul3A_2 = arith.muli %add3A, %mul3A_1 : i32
    %add3A_3 = arith.constant 0 : i32
    %add3A_4 = arith.addi %mul3A_2, %add3A_3 : i32
    %dma_start3A = tpu.memref_slice %arg2[%add3A_4] : memref<640000xi32, #tpu.memory_space<hbm>> -> memref<80xi32, #tpu.memory_space<hbm>>
    %dma_start3A_5 = tpu.memref_slice %arg2[%add3A_4] : memref<640000xi32, #tpu.memory_space<hbm>> -> memref<80xi32, #tpu.memory_space<hbm>>
    tpu.enqueue_dma source(%dma_start3A_5 : memref<80xi32, #tpu.memory_space<hbm>>) target(%arg6 : memref<80xi32, #tpu.memory_space<vmem>>) target_semaphore(%arg14 : memref<!tpu.dma_semaphore, #tpu.memory_space<semaphore_mem>>)
    %add3A_6 = arith.constant 80 : i32
    %add3A_7 = arith.addi %mul3A_2, %add3A_6 : i32
    %dma_start3A_8 = tpu.memref_slice %arg2[%add3A_7] : memref<640000xi32, #tpu.memory_space<hbm>> -> memref<80xi32, #tpu.memory_space<hbm>>
    %dma_start3A_9 = tpu.memref_slice %arg2[%add3A_7] : memref<640000xi32, #tpu.memory_space<hbm>> -> memref<80xi32, #tpu.memory_space<hbm>>
    tpu.enqueue_dma source(%dma_start3A_9 : memref<80xi32, #tpu.memory_space<hbm>>) target(%arg7 : memref<80xi32, #tpu.memory_space<vmem>>) target_semaphore(%arg15 : memref<!tpu.dma_semaphore, #tpu.memory_space<semaphore_mem>>)
    %add3A_10 = arith.constant 160 : i32
    %add3A_11 = arith.addi %mul3A_2, %add3A_10 : i32
    %dma_start3A_12 = tpu.memref_slice %arg2[%add3A_11] : memref<640000xi32, #tpu.memory_space<hbm>> -> memref<80xi32, #tpu.memory_space<hbm>>
    %dma_start3A_13 = tpu.memref_slice %arg2[%add3A_11] : memref<640000xi32, #tpu.memory_space<hbm>> -> memref<80xi32, #tpu.memory_space<hbm>>
    tpu.enqueue_dma source(%dma_start3A_13 : memref<80xi32, #tpu.memory_space<hbm>>) target(%arg8 : memref<80xi32, #tpu.memory_space<vmem>>) target_semaphore(%arg16 : memref<!tpu.dma_semaphore, #tpu.memory_space<semaphore_mem>>)
    %add3A_14 = arith.constant 240 : i32
    %add3A_15 = arith.addi %mul3A_2, %add3A_14 : i32
    %dma_start3A_16 = tpu.memref_slice %arg2[%add3A_15] : memref<640000xi32, #tpu.memory_space<hbm>> -> memref<80xi32, #tpu.memory_space<hbm>>
    %dma_start3A_17 = tpu.memref_slice %arg2[%add3A_15] : memref<640000xi32, #tpu.memory_space<hbm>> -> memref<80xi32, #tpu.memory_space<hbm>>
    tpu.enqueue_dma source(%dma_start3A_17 : memref<80xi32, #tpu.memory_space<hbm>>) target(%arg9 : memref<80xi32, #tpu.memory_space<vmem>>) target_semaphore(%arg17 : memref<!tpu.dma_semaphore, #tpu.memory_space<semaphore_mem>>)
    %add3A_18 = arith.constant 0 : i32
    %add3A_19 = arith.addi %mul3A_2, %add3A_18 : i32
    %dma_wait3A = tpu.memref_slice %arg2[%add3A_19] : memref<640000xi32, #tpu.memory_space<hbm>> -> memref<80xi32, #tpu.memory_space<hbm>>
    %dma_wait3A_20 = tpu.memref_slice %arg2[%add3A_19] : memref<640000xi32, #tpu.memory_space<hbm>> -> memref<80xi32, #tpu.memory_space<hbm>>
    tpu.wait_dma2 semaphore(%arg14 : memref<!tpu.dma_semaphore, #tpu.memory_space<semaphore_mem>>) src(%dma_wait3A_20 : memref<80xi32, #tpu.memory_space<hbm>>) dst(%arg6 : memref<80xi32, #tpu.memory_space<vmem>>)
    %dma_start3A_21 = arith.constant 0 : i32
    %dma_start3A_22 = arith.constant 0 : i32
    %dma_start3A_23 = tpu.memref_slice %arg3[%dma_start3A_21, %dma_start3A_22] : memref<10000x128xf32, #tpu.memory_space<hbm>> -> memref<10000x128xf32, #tpu.memory_space<hbm>>
    tpu.enqueue_indirect_dma source(%dma_start3A_23 : memref<10000x128xf32, #tpu.memory_space<hbm>>) target(%arg10 : memref<80x128xf32, #tpu.memory_space<vmem>>) offsets(%arg6 : memref<80xi32, #tpu.memory_space<vmem>>) semaphore(%arg18 : memref<!tpu.dma_semaphore, #tpu.memory_space<semaphore_mem>>)
    %add3A_24 = arith.constant 80 : i32
    %add3A_25 = arith.addi %mul3A_2, %add3A_24 : i32
    %dma_wait3A_26 = tpu.memref_slice %arg2[%add3A_25] : memref<640000xi32, #tpu.memory_space<hbm>> -> memref<80xi32, #tpu.memory_space<hbm>>
    %dma_wait3A_27 = tpu.memref_slice %arg2[%add3A_25] : memref<640000xi32, #tpu.memory_space<hbm>> -> memref<80xi32, #tpu.memory_space<hbm>>
    tpu.wait_dma2 semaphore(%arg15 : memref<!tpu.dma_semaphore, #tpu.memory_space<semaphore_mem>>) src(%dma_wait3A_27 : memref<80xi32, #tpu.memory_space<hbm>>) dst(%arg7 : memref<80xi32, #tpu.memory_space<vmem>>)
    %dma_start3A_28 = arith.constant 0 : i32
    %dma_start3A_29 = arith.constant 0 : i32
    %dma_start3A_30 = tpu.memref_slice %arg3[%dma_start3A_28, %dma_start3A_29] : memref<10000x128xf32, #tpu.memory_space<hbm>> -> memref<10000x128xf32, #tpu.memory_space<hbm>>
    tpu.enqueue_indirect_dma source(%dma_start3A_30 : memref<10000x128xf32, #tpu.memory_space<hbm>>) target(%arg11 : memref<80x128xf32, #tpu.memory_space<vmem>>) offsets(%arg7 : memref<80xi32, #tpu.memory_space<vmem>>) semaphore(%arg19 : memref<!tpu.dma_semaphore, #tpu.memory_space<semaphore_mem>>)
    %add3A_31 = arith.constant 160 : i32
    %add3A_32 = arith.addi %mul3A_2, %add3A_31 : i32
    %dma_wait3A_33 = tpu.memref_slice %arg2[%add3A_32] : memref<640000xi32, #tpu.memory_space<hbm>> -> memref<80xi32, #tpu.memory_space<hbm>>
    %dma_wait3A_34 = tpu.memref_slice %arg2[%add3A_32] : memref<640000xi32, #tpu.memory_space<hbm>> -> memref<80xi32, #tpu.memory_space<hbm>>
    tpu.wait_dma2 semaphore(%arg16 : memref<!tpu.dma_semaphore, #tpu.memory_space<semaphore_mem>>) src(%dma_wait3A_34 : memref<80xi32, #tpu.memory_space<hbm>>) dst(%arg8 : memref<80xi32, #tpu.memory_space<vmem>>)
    %dma_start3A_35 = arith.constant 0 : i32
    %dma_start3A_36 = arith.constant 0 : i32
    %dma_start3A_37 = tpu.memref_slice %arg3[%dma_start3A_35, %dma_start3A_36] : memref<10000x128xf32, #tpu.memory_space<hbm>> -> memref<10000x128xf32, #tpu.memory_space<hbm>>
    tpu.enqueue_indirect_dma source(%dma_start3A_37 : memref<10000x128xf32, #tpu.memory_space<hbm>>) target(%arg12 : memref<80x128xf32, #tpu.memory_space<vmem>>) offsets(%arg8 : memref<80xi32, #tpu.memory_space<vmem>>) semaphore(%arg20 : memref<!tpu.dma_semaphore, #tpu.memory_space<semaphore_mem>>)
    %add3A_38 = arith.constant 240 : i32
    %add3A_39 = arith.addi %mul3A_2, %add3A_38 : i32
    %dma_wait3A_40 = tpu.memref_slice %arg2[%add3A_39] : memref<640000xi32, #tpu.memory_space<hbm>> -> memref<80xi32, #tpu.memory_space<hbm>>
    %dma_wait3A_41 = tpu.memref_slice %arg2[%add3A_39] : memref<640000xi32, #tpu.memory_space<hbm>> -> memref<80xi32, #tpu.memory_space<hbm>>
    tpu.wait_dma2 semaphore(%arg17 : memref<!tpu.dma_semaphore, #tpu.memory_space<semaphore_mem>>) src(%dma_wait3A_41 : memref<80xi32, #tpu.memory_space<hbm>>) dst(%arg9 : memref<80xi32, #tpu.memory_space<vmem>>)
    %dma_start3A_42 = arith.constant 0 : i32
    %dma_start3A_43 = arith.constant 0 : i32
    %dma_start3A_44 = tpu.memref_slice %arg3[%dma_start3A_42, %dma_start3A_43] : memref<10000x128xf32, #tpu.memory_space<hbm>> -> memref<10000x128xf32, #tpu.memory_space<hbm>>
    tpu.enqueue_indirect_dma source(%dma_start3A_44 : memref<10000x128xf32, #tpu.memory_space<hbm>>) target(%arg13 : memref<80x128xf32, #tpu.memory_space<vmem>>) offsets(%arg9 : memref<80xi32, #tpu.memory_space<vmem>>) semaphore(%arg21 : memref<!tpu.dma_semaphore, #tpu.memory_space<semaphore_mem>>)
    %lt3A = arith.constant 15 : i32
    %lt3A_45 = arith.cmpi slt, %arg1, %lt3A : i32
    %convert_element_type3A = arith.extui %lt3A_45 : i1 to i32
    %cond3A = arith.constant 0 : i32
    %cond3A_46 = arith.cmpi ne, %convert_element_type3A, %cond3A : i32
    scf.if %cond3A_46 {
      %mul3A_158 = arith.constant 624 : i32
      %mul3A_159 = arith.muli %arg1, %mul3A_158 : i32
      %mul3A_160 = arith.constant 624 : i32
      %mul3A_161 = arith.muli %arg1, %mul3A_160 : i32
      "tpu.region"() ({
        %run_scoped3A = tpu.sem_alloc : memref<!tpu.dma_semaphore, #tpu.memory_space<semaphore_mem>>
        %dma_start3A_162 = arith.constant 0 : i32
        %dma_start3A_163 = tpu.memref_slice %arg5[%mul3A_161, %dma_start3A_162] : memref<10000x128xf32, #tpu.memory_space<vmem_shared>> -> memref<624x128xf32, #tpu.memory_space<vmem_shared>>
        %dma_start3A_164 = arith.constant 0 : i32
        %dma_start3A_165 = tpu.memref_slice %arg3[%mul3A_159, %dma_start3A_164] : memref<10000x128xf32, #tpu.memory_space<hbm>> -> memref<624x128xf32, #tpu.memory_space<hbm>>
        tpu.enqueue_dma source(%dma_start3A_165 : memref<624x128xf32, #tpu.memory_space<hbm>>) target(%dma_start3A_163 : memref<624x128xf32, #tpu.memory_space<vmem_shared>>) target_semaphore(%run_scoped3A : memref<!tpu.dma_semaphore, #tpu.memory_space<semaphore_mem>>)
        %dma_wait3A_166 = arith.constant 0 : i32
        %dma_wait3A_167 = tpu.memref_slice %arg5[%mul3A_161, %dma_wait3A_166] : memref<10000x128xf32, #tpu.memory_space<vmem_shared>> -> memref<624x128xf32, #tpu.memory_space<vmem_shared>>
        %dma_wait3A_168 = arith.constant 0 : i32
        %dma_wait3A_169 = tpu.memref_slice %arg3[%mul3A_159, %dma_wait3A_168] : memref<10000x128xf32, #tpu.memory_space<hbm>> -> memref<624x128xf32, #tpu.memory_space<hbm>>
        tpu.wait_dma2 semaphore(%run_scoped3A : memref<!tpu.dma_semaphore, #tpu.memory_space<semaphore_mem>>) src(%dma_wait3A_169 : memref<624x128xf32, #tpu.memory_space<hbm>>) dst(%dma_wait3A_167 : memref<624x128xf32, #tpu.memory_space<vmem_shared>>)
        tpu.yield
      }) : () -> ()
    } else {
    }
    %eq3A = arith.constant 15 : i32
    %eq3A_47 = arith.cmpi eq, %arg1, %eq3A : i32
    %convert_element_type3A_48 = arith.extui %eq3A_47 : i1 to i32
    %cond3A_49 = arith.constant 0 : i32
    %cond3A_50 = arith.cmpi ne, %convert_element_type3A_48, %cond3A_49 : i32
    scf.if %cond3A_50 {
      "tpu.region"() ({
        %run_scoped3A = tpu.sem_alloc : memref<!tpu.dma_semaphore, #tpu.memory_space<semaphore_mem>>
        %dma_start3A_158 = arith.constant 9360 : i32
        %dma_start3A_159 = arith.constant 0 : i32
        %dma_start3A_160 = tpu.memref_slice %arg5[%dma_start3A_158, %dma_start3A_159] : memref<10000x128xf32, #tpu.memory_space<vmem_shared>> -> memref<640x128xf32, #tpu.memory_space<vmem_shared>>
        %dma_start3A_161 = arith.constant 9360 : i32
        %dma_start3A_162 = arith.constant 0 : i32
        %dma_start3A_163 = tpu.memref_slice %arg3[%dma_start3A_161, %dma_start3A_162] : memref<10000x128xf32, #tpu.memory_space<hbm>> -> memref<640x128xf32, #tpu.memory_space<hbm>>
        tpu.enqueue_dma source(%dma_start3A_163 : memref<640x128xf32, #tpu.memory_space<hbm>>) target(%dma_start3A_160 : memref<640x128xf32, #tpu.memory_space<vmem_shared>>) target_semaphore(%run_scoped3A : memref<!tpu.dma_semaphore, #tpu.memory_space<semaphore_mem>>)
        %dma_wait3A_164 = arith.constant 9360 : i32
        %dma_wait3A_165 = arith.constant 0 : i32
        %dma_wait3A_166 = tpu.memref_slice %arg5[%dma_wait3A_164, %dma_wait3A_165] : memref<10000x128xf32, #tpu.memory_space<vmem_shared>> -> memref<640x128xf32, #tpu.memory_space<vmem_shared>>
        %dma_wait3A_167 = arith.constant 9360 : i32
        %dma_wait3A_168 = arith.constant 0 : i32
        %dma_wait3A_169 = tpu.memref_slice %arg3[%dma_wait3A_167, %dma_wait3A_168] : memref<10000x128xf32, #tpu.memory_space<hbm>> -> memref<640x128xf32, #tpu.memory_space<hbm>>
        tpu.wait_dma2 semaphore(%run_scoped3A : memref<!tpu.dma_semaphore, #tpu.memory_space<semaphore_mem>>) src(%dma_wait3A_169 : memref<640x128xf32, #tpu.memory_space<hbm>>) dst(%dma_wait3A_166 : memref<640x128xf32, #tpu.memory_space<vmem_shared>>)
        tpu.yield
      }) : () -> ()
    } else {
    }
    %barrier3A = arith.constant 0 : index
    tpu.barrier barrier_id(%barrier3A)
    %dma_wait3A_51 = arith.constant 0 : i32
    %dma_wait3A_52 = arith.constant 0 : i32
    %dma_wait3A_53 = tpu.memref_slice %arg3[%dma_wait3A_51, %dma_wait3A_52] : memref<10000x128xf32, #tpu.memory_space<hbm>> -> memref<10000x128xf32, #tpu.memory_space<hbm>>
    tpu.wait_indirect_dma semaphore(%arg18 : memref<!tpu.dma_semaphore, #tpu.memory_space<semaphore_mem>>) src(%dma_wait3A_53 : memref<10000x128xf32, #tpu.memory_space<hbm>>) dst(%arg10 : memref<80x128xf32, #tpu.memory_space<vmem>>)
    %add3A_54 = arith.constant 0 : i32
    %add3A_55 = arith.addi %mul3A_2, %add3A_54 : i32
    %dma_start3A_56 = arith.constant 0 : i32
    %dma_start3A_57 = tpu.memref_slice %arg4[%add3A_55, %dma_start3A_56] : memref<320000x128xf32, #tpu.memory_space<hbm>> -> memref<80x128xf32, #tpu.memory_space<hbm>>
    %dma_start3A_58 = arith.constant 0 : i32
    %dma_start3A_59 = tpu.memref_slice %arg4[%add3A_55, %dma_start3A_58] : memref<320000x128xf32, #tpu.memory_space<hbm>> -> memref<80x128xf32, #tpu.memory_space<hbm>>
    tpu.enqueue_dma source(%arg10 : memref<80x128xf32, #tpu.memory_space<vmem>>) target(%dma_start3A_59 : memref<80x128xf32, #tpu.memory_space<hbm>>) target_semaphore(%arg22 : memref<!tpu.dma_semaphore, #tpu.memory_space<semaphore_mem>>)
    %add3A_60 = arith.constant 320 : i32
    %add3A_61 = arith.addi %mul3A_2, %add3A_60 : i32
    %dma_start3A_62 = tpu.memref_slice %arg2[%add3A_61] : memref<640000xi32, #tpu.memory_space<hbm>> -> memref<80xi32, #tpu.memory_space<hbm>>
    %dma_start3A_63 = tpu.memref_slice %arg2[%add3A_61] : memref<640000xi32, #tpu.memory_space<hbm>> -> memref<80xi32, #tpu.memory_space<hbm>>
    tpu.enqueue_dma source(%dma_start3A_63 : memref<80xi32, #tpu.memory_space<hbm>>) target(%arg6 : memref<80xi32, #tpu.memory_space<vmem>>) target_semaphore(%arg14 : memref<!tpu.dma_semaphore, #tpu.memory_space<semaphore_mem>>)
    %dma_wait3A_64 = arith.constant 0 : i32
    %dma_wait3A_65 = arith.constant 0 : i32
    %dma_wait3A_66 = tpu.memref_slice %arg3[%dma_wait3A_64, %dma_wait3A_65] : memref<10000x128xf32, #tpu.memory_space<hbm>> -> memref<10000x128xf32, #tpu.memory_space<hbm>>
    tpu.wait_indirect_dma semaphore(%arg19 : memref<!tpu.dma_semaphore, #tpu.memory_space<semaphore_mem>>) src(%dma_wait3A_66 : memref<10000x128xf32, #tpu.memory_space<hbm>>) dst(%arg11 : memref<80x128xf32, #tpu.memory_space<vmem>>)
    %add3A_67 = arith.constant 80 : i32
    %add3A_68 = arith.addi %mul3A_2, %add3A_67 : i32
    %dma_start3A_69 = arith.constant 0 : i32
    %dma_start3A_70 = tpu.memref_slice %arg4[%add3A_68, %dma_start3A_69] : memref<320000x128xf32, #tpu.memory_space<hbm>> -> memref<80x128xf32, #tpu.memory_space<hbm>>
    %dma_start3A_71 = arith.constant 0 : i32
    %dma_start3A_72 = tpu.memref_slice %arg4[%add3A_68, %dma_start3A_71] : memref<320000x128xf32, #tpu.memory_space<hbm>> -> memref<80x128xf32, #tpu.memory_space<hbm>>
    tpu.enqueue_dma source(%arg11 : memref<80x128xf32, #tpu.memory_space<vmem>>) target(%dma_start3A_72 : memref<80x128xf32, #tpu.memory_space<hbm>>) target_semaphore(%arg23 : memref<!tpu.dma_semaphore, #tpu.memory_space<semaphore_mem>>)
    %add3A_73 = arith.constant 400 : i32
    %add3A_74 = arith.addi %mul3A_2, %add3A_73 : i32
    %dma_start3A_75 = tpu.memref_slice %arg2[%add3A_74] : memref<640000xi32, #tpu.memory_space<hbm>> -> memref<80xi32, #tpu.memory_space<hbm>>
    %dma_start3A_76 = tpu.memref_slice %arg2[%add3A_74] : memref<640000xi32, #tpu.memory_space<hbm>> -> memref<80xi32, #tpu.memory_space<hbm>>
    tpu.enqueue_dma source(%dma_start3A_76 : memref<80xi32, #tpu.memory_space<hbm>>) target(%arg7 : memref<80xi32, #tpu.memory_space<vmem>>) target_semaphore(%arg15 : memref<!tpu.dma_semaphore, #tpu.memory_space<semaphore_mem>>)
    %dma_wait3A_77 = arith.constant 0 : i32
    %dma_wait3A_78 = arith.constant 0 : i32
    %dma_wait3A_79 = tpu.memref_slice %arg3[%dma_wait3A_77, %dma_wait3A_78] : memref<10000x128xf32, #tpu.memory_space<hbm>> -> memref<10000x128xf32, #tpu.memory_space<hbm>>
    tpu.wait_indirect_dma semaphore(%arg20 : memref<!tpu.dma_semaphore, #tpu.memory_space<semaphore_mem>>) src(%dma_wait3A_79 : memref<10000x128xf32, #tpu.memory_space<hbm>>) dst(%arg12 : memref<80x128xf32, #tpu.memory_space<vmem>>)
    %add3A_80 = arith.constant 160 : i32
    %add3A_81 = arith.addi %mul3A_2, %add3A_80 : i32
    %dma_start3A_82 = arith.constant 0 : i32
    %dma_start3A_83 = tpu.memref_slice %arg4[%add3A_81, %dma_start3A_82] : memref<320000x128xf32, #tpu.memory_space<hbm>> -> memref<80x128xf32, #tpu.memory_space<hbm>>
    %dma_start3A_84 = arith.constant 0 : i32
    %dma_start3A_85 = tpu.memref_slice %arg4[%add3A_81, %dma_start3A_84] : memref<320000x128xf32, #tpu.memory_space<hbm>> -> memref<80x128xf32, #tpu.memory_space<hbm>>
    tpu.enqueue_dma source(%arg12 : memref<80x128xf32, #tpu.memory_space<vmem>>) target(%dma_start3A_85 : memref<80x128xf32, #tpu.memory_space<hbm>>) target_semaphore(%arg24 : memref<!tpu.dma_semaphore, #tpu.memory_space<semaphore_mem>>)
    %add3A_86 = arith.constant 480 : i32
    %add3A_87 = arith.addi %mul3A_2, %add3A_86 : i32
    %dma_start3A_88 = tpu.memref_slice %arg2[%add3A_87] : memref<640000xi32, #tpu.memory_space<hbm>> -> memref<80xi32, #tpu.memory_space<hbm>>
    %dma_start3A_89 = tpu.memref_slice %arg2[%add3A_87] : memref<640000xi32, #tpu.memory_space<hbm>> -> memref<80xi32, #tpu.memory_space<hbm>>
    tpu.enqueue_dma source(%dma_start3A_89 : memref<80xi32, #tpu.memory_space<hbm>>) target(%arg8 : memref<80xi32, #tpu.memory_space<vmem>>) target_semaphore(%arg16 : memref<!tpu.dma_semaphore, #tpu.memory_space<semaphore_mem>>)
    %dma_wait3A_90 = arith.constant 0 : i32
    %dma_wait3A_91 = arith.constant 0 : i32
    %dma_wait3A_92 = tpu.memref_slice %arg3[%dma_wait3A_90, %dma_wait3A_91] : memref<10000x128xf32, #tpu.memory_space<hbm>> -> memref<10000x128xf32, #tpu.memory_space<hbm>>
    tpu.wait_indirect_dma semaphore(%arg21 : memref<!tpu.dma_semaphore, #tpu.memory_space<semaphore_mem>>) src(%dma_wait3A_92 : memref<10000x128xf32, #tpu.memory_space<hbm>>) dst(%arg13 : memref<80x128xf32, #tpu.memory_space<vmem>>)
    %add3A_93 = arith.constant 240 : i32
    %add3A_94 = arith.addi %mul3A_2, %add3A_93 : i32
    %dma_start3A_95 = arith.constant 0 : i32
    %dma_start3A_96 = tpu.memref_slice %arg4[%add3A_94, %dma_start3A_95] : memref<320000x128xf32, #tpu.memory_space<hbm>> -> memref<80x128xf32, #tpu.memory_space<hbm>>
    %dma_start3A_97 = arith.constant 0 : i32
    %dma_start3A_98 = tpu.memref_slice %arg4[%add3A_94, %dma_start3A_97] : memref<320000x128xf32, #tpu.memory_space<hbm>> -> memref<80x128xf32, #tpu.memory_space<hbm>>
    tpu.enqueue_dma source(%arg13 : memref<80x128xf32, #tpu.memory_space<vmem>>) target(%dma_start3A_98 : memref<80x128xf32, #tpu.memory_space<hbm>>) target_semaphore(%arg25 : memref<!tpu.dma_semaphore, #tpu.memory_space<semaphore_mem>>)
    %add3A_99 = arith.constant 560 : i32
    %add3A_100 = arith.addi %mul3A_2, %add3A_99 : i32
    %dma_start3A_101 = tpu.memref_slice %arg2[%add3A_100] : memref<640000xi32, #tpu.memory_space<hbm>> -> memref<80xi32, #tpu.memory_space<hbm>>
    %dma_start3A_102 = tpu.memref_slice %arg2[%add3A_100] : memref<640000xi32, #tpu.memory_space<hbm>> -> memref<80xi32, #tpu.memory_space<hbm>>
    tpu.enqueue_dma source(%dma_start3A_102 : memref<80xi32, #tpu.memory_space<hbm>>) target(%arg9 : memref<80xi32, #tpu.memory_space<vmem>>) target_semaphore(%arg17 : memref<!tpu.dma_semaphore, #tpu.memory_space<semaphore_mem>>)
    %scan3A = arith.constant 0 : i32
    %scan3A_103 = arith.constant 1 : i32
    %scan3A_104 = arith.constant 30 : i32
    %scan3A_105 = arith.addi %scan3A_103, %scan3A_104 : i32
    %scan3A_106 = arith.constant 1 : i32
    scf.for %scan3A_158 = %scan3A_103 to %scan3A_105 step %scan3A_106  : i32 {
      %mul3A_159 = arith.constant 4 : i32
      %mul3A_160 = arith.muli %scan3A_158, %mul3A_159 : i32
      %add3A_161 = arith.constant 0 : i32
      %add3A_162 = arith.addi %mul3A_2, %add3A_161 : i32
      %dma_wait3A_163 = tpu.memref_slice %arg2[%add3A_162] : memref<640000xi32, #tpu.memory_space<hbm>> -> memref<80xi32, #tpu.memory_space<hbm>>
      %dma_wait3A_164 = tpu.memref_slice %arg2[%add3A_162] : memref<640000xi32, #tpu.memory_space<hbm>> -> memref<80xi32, #tpu.memory_space<hbm>>
      tpu.wait_dma2 semaphore(%arg14 : memref<!tpu.dma_semaphore, #tpu.memory_space<semaphore_mem>>) src(%dma_wait3A_164 : memref<80xi32, #tpu.memory_space<hbm>>) dst(%arg6 : memref<80xi32, #tpu.memory_space<vmem>>)
      %add3A_165 = arith.constant 0 : i32
      %add3A_166 = arith.addi %mul3A_2, %add3A_165 : i32
      %dma_wait3A_167 = arith.constant 0 : i32
      %dma_wait3A_168 = tpu.memref_slice %arg4[%add3A_166, %dma_wait3A_167] : memref<320000x128xf32, #tpu.memory_space<hbm>> -> memref<80x128xf32, #tpu.memory_space<hbm>>
      %dma_wait3A_169 = arith.constant 0 : i32
      %dma_wait3A_170 = tpu.memref_slice %arg4[%add3A_166, %dma_wait3A_169] : memref<320000x128xf32, #tpu.memory_space<hbm>> -> memref<80x128xf32, #tpu.memory_space<hbm>>
      tpu.wait_dma2 semaphore(%arg22 : memref<!tpu.dma_semaphore, #tpu.memory_space<semaphore_mem>>) src(%arg10 : memref<80x128xf32, #tpu.memory_space<vmem>>) dst(%dma_wait3A_170 : memref<80x128xf32, #tpu.memory_space<hbm>>)
      %dma_start3A_171 = arith.constant 0 : i32
      %dma_start3A_172 = arith.constant 0 : i32
      %dma_start3A_173 = tpu.memref_slice %arg5[%dma_start3A_171, %dma_start3A_172] : memref<10000x128xf32, #tpu.memory_space<vmem_shared>> -> memref<10000x128xf32, #tpu.memory_space<vmem_shared>>
      tpu.enqueue_indirect_dma source(%dma_start3A_173 : memref<10000x128xf32, #tpu.memory_space<vmem_shared>>) target(%arg10 : memref<80x128xf32, #tpu.memory_space<vmem>>) offsets(%arg6 : memref<80xi32, #tpu.memory_space<vmem>>) semaphore(%arg18 : memref<!tpu.dma_semaphore, #tpu.memory_space<semaphore_mem>>)
      %add3A_174 = arith.constant 0 : i32
      %add3A_175 = arith.addi %mul3A_2, %add3A_174 : i32
      %dma_wait3A_176 = tpu.memref_slice %arg2[%add3A_175] : memref<640000xi32, #tpu.memory_space<hbm>> -> memref<80xi32, #tpu.memory_space<hbm>>
      %dma_wait3A_177 = tpu.memref_slice %arg2[%add3A_175] : memref<640000xi32, #tpu.memory_space<hbm>> -> memref<80xi32, #tpu.memory_space<hbm>>
      tpu.wait_dma2 semaphore(%arg15 : memref<!tpu.dma_semaphore, #tpu.memory_space<semaphore_mem>>) src(%dma_wait3A_177 : memref<80xi32, #tpu.memory_space<hbm>>) dst(%arg7 : memref<80xi32, #tpu.memory_space<vmem>>)
      %add3A_178 = arith.constant 0 : i32
      %add3A_179 = arith.addi %mul3A_2, %add3A_178 : i32
      %dma_wait3A_180 = arith.constant 0 : i32
      %dma_wait3A_181 = tpu.memref_slice %arg4[%add3A_179, %dma_wait3A_180] : memref<320000x128xf32, #tpu.memory_space<hbm>> -> memref<80x128xf32, #tpu.memory_space<hbm>>
      %dma_wait3A_182 = arith.constant 0 : i32
      %dma_wait3A_183 = tpu.memref_slice %arg4[%add3A_179, %dma_wait3A_182] : memref<320000x128xf32, #tpu.memory_space<hbm>> -> memref<80x128xf32, #tpu.memory_space<hbm>>
      tpu.wait_dma2 semaphore(%arg23 : memref<!tpu.dma_semaphore, #tpu.memory_space<semaphore_mem>>) src(%arg11 : memref<80x128xf32, #tpu.memory_space<vmem>>) dst(%dma_wait3A_183 : memref<80x128xf32, #tpu.memory_space<hbm>>)
      %dma_start3A_184 = arith.constant 0 : i32
      %dma_start3A_185 = arith.constant 0 : i32
      %dma_start3A_186 = tpu.memref_slice %arg5[%dma_start3A_184, %dma_start3A_185] : memref<10000x128xf32, #tpu.memory_space<vmem_shared>> -> memref<10000x128xf32, #tpu.memory_space<vmem_shared>>
      tpu.enqueue_indirect_dma source(%dma_start3A_186 : memref<10000x128xf32, #tpu.memory_space<vmem_shared>>) target(%arg11 : memref<80x128xf32, #tpu.memory_space<vmem>>) offsets(%arg7 : memref<80xi32, #tpu.memory_space<vmem>>) semaphore(%arg19 : memref<!tpu.dma_semaphore, #tpu.memory_space<semaphore_mem>>)
      %add3A_187 = arith.constant 0 : i32
      %add3A_188 = arith.addi %mul3A_2, %add3A_187 : i32
      %dma_wait3A_189 = tpu.memref_slice %arg2[%add3A_188] : memref<640000xi32, #tpu.memory_space<hbm>> -> memref<80xi32, #tpu.memory_space<hbm>>
      %dma_wait3A_190 = tpu.memref_slice %arg2[%add3A_188] : memref<640000xi32, #tpu.memory_space<hbm>> -> memref<80xi32, #tpu.memory_space<hbm>>
      tpu.wait_dma2 semaphore(%arg16 : memref<!tpu.dma_semaphore, #tpu.memory_space<semaphore_mem>>) src(%dma_wait3A_190 : memref<80xi32, #tpu.memory_space<hbm>>) dst(%arg8 : memref<80xi32, #tpu.memory_space<vmem>>)
      %add3A_191 = arith.constant 0 : i32
      %add3A_192 = arith.addi %mul3A_2, %add3A_191 : i32
      %dma_wait3A_193 = arith.constant 0 : i32
      %dma_wait3A_194 = tpu.memref_slice %arg4[%add3A_192, %dma_wait3A_193] : memref<320000x128xf32, #tpu.memory_space<hbm>> -> memref<80x128xf32, #tpu.memory_space<hbm>>
      %dma_wait3A_195 = arith.constant 0 : i32
      %dma_wait3A_196 = tpu.memref_slice %arg4[%add3A_192, %dma_wait3A_195] : memref<320000x128xf32, #tpu.memory_space<hbm>> -> memref<80x128xf32, #tpu.memory_space<hbm>>
      tpu.wait_dma2 semaphore(%arg24 : memref<!tpu.dma_semaphore, #tpu.memory_space<semaphore_mem>>) src(%arg12 : memref<80x128xf32, #tpu.memory_space<vmem>>) dst(%dma_wait3A_196 : memref<80x128xf32, #tpu.memory_space<hbm>>)
      %dma_start3A_197 = arith.constant 0 : i32
      %dma_start3A_198 = arith.constant 0 : i32
      %dma_start3A_199 = tpu.memref_slice %arg5[%dma_start3A_197, %dma_start3A_198] : memref<10000x128xf32, #tpu.memory_space<vmem_shared>> -> memref<10000x128xf32, #tpu.memory_space<vmem_shared>>
      tpu.enqueue_indirect_dma source(%dma_start3A_199 : memref<10000x128xf32, #tpu.memory_space<vmem_shared>>) target(%arg12 : memref<80x128xf32, #tpu.memory_space<vmem>>) offsets(%arg8 : memref<80xi32, #tpu.memory_space<vmem>>) semaphore(%arg20 : memref<!tpu.dma_semaphore, #tpu.memory_space<semaphore_mem>>)
      %add3A_200 = arith.constant 0 : i32
      %add3A_201 = arith.addi %mul3A_2, %add3A_200 : i32
      %dma_wait3A_202 = tpu.memref_slice %arg2[%add3A_201] : memref<640000xi32, #tpu.memory_space<hbm>> -> memref<80xi32, #tpu.memory_space<hbm>>
      %dma_wait3A_203 = tpu.memref_slice %arg2[%add3A_201] : memref<640000xi32, #tpu.memory_space<hbm>> -> memref<80xi32, #tpu.memory_space<hbm>>
      tpu.wait_dma2 semaphore(%arg17 : memref<!tpu.dma_semaphore, #tpu.memory_space<semaphore_mem>>) src(%dma_wait3A_203 : memref<80xi32, #tpu.memory_space<hbm>>) dst(%arg9 : memref<80xi32, #tpu.memory_space<vmem>>)
      %add3A_204 = arith.constant 0 : i32
      %add3A_205 = arith.addi %mul3A_2, %add3A_204 : i32
      %dma_wait3A_206 = arith.constant 0 : i32
      %dma_wait3A_207 = tpu.memref_slice %arg4[%add3A_205, %dma_wait3A_206] : memref<320000x128xf32, #tpu.memory_space<hbm>> -> memref<80x128xf32, #tpu.memory_space<hbm>>
      %dma_wait3A_208 = arith.constant 0 : i32
      %dma_wait3A_209 = tpu.memref_slice %arg4[%add3A_205, %dma_wait3A_208] : memref<320000x128xf32, #tpu.memory_space<hbm>> -> memref<80x128xf32, #tpu.memory_space<hbm>>
      tpu.wait_dma2 semaphore(%arg25 : memref<!tpu.dma_semaphore, #tpu.memory_space<semaphore_mem>>) src(%arg13 : memref<80x128xf32, #tpu.memory_space<vmem>>) dst(%dma_wait3A_209 : memref<80x128xf32, #tpu.memory_space<hbm>>)
      %dma_start3A_210 = arith.constant 0 : i32
      %dma_start3A_211 = arith.constant 0 : i32
      %dma_start3A_212 = tpu.memref_slice %arg5[%dma_start3A_210, %dma_start3A_211] : memref<10000x128xf32, #tpu.memory_space<vmem_shared>> -> memref<10000x128xf32, #tpu.memory_space<vmem_shared>>
      tpu.enqueue_indirect_dma source(%dma_start3A_212 : memref<10000x128xf32, #tpu.memory_space<vmem_shared>>) target(%arg13 : memref<80x128xf32, #tpu.memory_space<vmem>>) offsets(%arg9 : memref<80xi32, #tpu.memory_space<vmem>>) semaphore(%arg21 : memref<!tpu.dma_semaphore, #tpu.memory_space<semaphore_mem>>)
      %dma_wait3A_213 = arith.constant 0 : i32
      %dma_wait3A_214 = arith.constant 0 : i32
      %dma_wait3A_215 = tpu.memref_slice %arg5[%dma_wait3A_213, %dma_wait3A_214] : memref<10000x128xf32, #tpu.memory_space<vmem_shared>> -> memref<10000x128xf32, #tpu.memory_space<vmem_shared>>
      tpu.wait_indirect_dma semaphore(%arg18 : memref<!tpu.dma_semaphore, #tpu.memory_space<semaphore_mem>>) src(%dma_wait3A_215 : memref<10000x128xf32, #tpu.memory_space<vmem_shared>>) dst(%arg10 : memref<80x128xf32, #tpu.memory_space<vmem>>)
      %add3A_216 = arith.constant 0 : i32
      %add3A_217 = arith.addi %mul3A_160, %add3A_216 : i32
      %mul3A_218 = arith.constant 80 : i32
      %mul3A_219 = arith.muli %add3A_217, %mul3A_218 : i32
      %add3A_220 = arith.addi %mul3A_2, %mul3A_219 : i32
      %dma_start3A_221 = arith.constant 0 : i32
      %dma_start3A_222 = tpu.memref_slice %arg4[%add3A_220, %dma_start3A_221] : memref<320000x128xf32, #tpu.memory_space<hbm>> -> memref<80x128xf32, #tpu.memory_space<hbm>>
      %dma_start3A_223 = arith.constant 0 : i32
      %dma_start3A_224 = tpu.memref_slice %arg4[%add3A_220, %dma_start3A_223] : memref<320000x128xf32, #tpu.memory_space<hbm>> -> memref<80x128xf32, #tpu.memory_space<hbm>>
      tpu.enqueue_dma source(%arg10 : memref<80x128xf32, #tpu.memory_space<vmem>>) target(%dma_start3A_224 : memref<80x128xf32, #tpu.memory_space<hbm>>) target_semaphore(%arg22 : memref<!tpu.dma_semaphore, #tpu.memory_space<semaphore_mem>>)
      %lt3A_225 = arith.constant 30 : i32
      %lt3A_226 = arith.cmpi slt, %scan3A_158, %lt3A_225 : i32
      %convert_element_type3A_227 = arith.extui %lt3A_226 : i1 to i32
      %cond3A_228 = arith.constant 0 : i32
      %cond3A_229 = arith.cmpi ne, %convert_element_type3A_227, %cond3A_228 : i32
      scf.if %cond3A_229 {
        %add3A_281 = arith.constant 4 : i32
        %add3A_282 = arith.addi %mul3A_160, %add3A_281 : i32
        %add3A_283 = arith.constant 0 : i32
        %add3A_284 = arith.addi %add3A_282, %add3A_283 : i32
        %mul3A_285 = arith.constant 80 : i32
        %mul3A_286 = arith.muli %add3A_284, %mul3A_285 : i32
        %add3A_287 = arith.addi %mul3A_2, %mul3A_286 : i32
        %dma_start3A_288 = tpu.memref_slice %arg2[%add3A_287] : memref<640000xi32, #tpu.memory_space<hbm>> -> memref<80xi32, #tpu.memory_space<hbm>>
        %dma_start3A_289 = tpu.memref_slice %arg2[%add3A_287] : memref<640000xi32, #tpu.memory_space<hbm>> -> memref<80xi32, #tpu.memory_space<hbm>>
        tpu.enqueue_dma source(%dma_start3A_289 : memref<80xi32, #tpu.memory_space<hbm>>) target(%arg6 : memref<80xi32, #tpu.memory_space<vmem>>) target_semaphore(%arg14 : memref<!tpu.dma_semaphore, #tpu.memory_space<semaphore_mem>>)
      } else {
      }
      %dma_wait3A_230 = arith.constant 0 : i32
      %dma_wait3A_231 = arith.constant 0 : i32
      %dma_wait3A_232 = tpu.memref_slice %arg5[%dma_wait3A_230, %dma_wait3A_231] : memref<10000x128xf32, #tpu.memory_space<vmem_shared>> -> memref<10000x128xf32, #tpu.memory_space<vmem_shared>>
      tpu.wait_indirect_dma semaphore(%arg19 : memref<!tpu.dma_semaphore, #tpu.memory_space<semaphore_mem>>) src(%dma_wait3A_232 : memref<10000x128xf32, #tpu.memory_space<vmem_shared>>) dst(%arg11 : memref<80x128xf32, #tpu.memory_space<vmem>>)
      %add3A_233 = arith.constant 1 : i32
      %add3A_234 = arith.addi %mul3A_160, %add3A_233 : i32
      %mul3A_235 = arith.constant 80 : i32
      %mul3A_236 = arith.muli %add3A_234, %mul3A_235 : i32
      %add3A_237 = arith.addi %mul3A_2, %mul3A_236 : i32
      %dma_start3A_238 = arith.constant 0 : i32
      %dma_start3A_239 = tpu.memref_slice %arg4[%add3A_237, %dma_start3A_238] : memref<320000x128xf32, #tpu.memory_space<hbm>> -> memref<80x128xf32, #tpu.memory_space<hbm>>
      %dma_start3A_240 = arith.constant 0 : i32
      %dma_start3A_241 = tpu.memref_slice %arg4[%add3A_237, %dma_start3A_240] : memref<320000x128xf32, #tpu.memory_space<hbm>> -> memref<80x128xf32, #tpu.memory_space<hbm>>
      tpu.enqueue_dma source(%arg11 : memref<80x128xf32, #tpu.memory_space<vmem>>) target(%dma_start3A_241 : memref<80x128xf32, #tpu.memory_space<hbm>>) target_semaphore(%arg23 : memref<!tpu.dma_semaphore, #tpu.memory_space<semaphore_mem>>)
      %lt3A_242 = arith.constant 30 : i32
      %lt3A_243 = arith.cmpi slt, %scan3A_158, %lt3A_242 : i32
      %convert_element_type3A_244 = arith.extui %lt3A_243 : i1 to i32
      %cond3A_245 = arith.constant 0 : i32
      %cond3A_246 = arith.cmpi ne, %convert_element_type3A_244, %cond3A_245 : i32
      scf.if %cond3A_246 {
        %add3A_281 = arith.constant 4 : i32
        %add3A_282 = arith.addi %mul3A_160, %add3A_281 : i32
        %add3A_283 = arith.constant 1 : i32
        %add3A_284 = arith.addi %add3A_282, %add3A_283 : i32
        %mul3A_285 = arith.constant 80 : i32
        %mul3A_286 = arith.muli %add3A_284, %mul3A_285 : i32
        %add3A_287 = arith.addi %mul3A_2, %mul3A_286 : i32
        %dma_start3A_288 = tpu.memref_slice %arg2[%add3A_287] : memref<640000xi32, #tpu.memory_space<hbm>> -> memref<80xi32, #tpu.memory_space<hbm>>
        %dma_start3A_289 = tpu.memref_slice %arg2[%add3A_287] : memref<640000xi32, #tpu.memory_space<hbm>> -> memref<80xi32, #tpu.memory_space<hbm>>
        tpu.enqueue_dma source(%dma_start3A_289 : memref<80xi32, #tpu.memory_space<hbm>>) target(%arg7 : memref<80xi32, #tpu.memory_space<vmem>>) target_semaphore(%arg15 : memref<!tpu.dma_semaphore, #tpu.memory_space<semaphore_mem>>)
      } else {
      }
      %dma_wait3A_247 = arith.constant 0 : i32
      %dma_wait3A_248 = arith.constant 0 : i32
      %dma_wait3A_249 = tpu.memref_slice %arg5[%dma_wait3A_247, %dma_wait3A_248] : memref<10000x128xf32, #tpu.memory_space<vmem_shared>> -> memref<10000x128xf32, #tpu.memory_space<vmem_shared>>
      tpu.wait_indirect_dma semaphore(%arg20 : memref<!tpu.dma_semaphore, #tpu.memory_space<semaphore_mem>>) src(%dma_wait3A_249 : memref<10000x128xf32, #tpu.memory_space<vmem_shared>>) dst(%arg12 : memref<80x128xf32, #tpu.memory_space<vmem>>)
      %add3A_250 = arith.constant 2 : i32
      %add3A_251 = arith.addi %mul3A_160, %add3A_250 : i32
      %mul3A_252 = arith.constant 80 : i32
      %mul3A_253 = arith.muli %add3A_251, %mul3A_252 : i32
      %add3A_254 = arith.addi %mul3A_2, %mul3A_253 : i32
      %dma_start3A_255 = arith.constant 0 : i32
      %dma_start3A_256 = tpu.memref_slice %arg4[%add3A_254, %dma_start3A_255] : memref<320000x128xf32, #tpu.memory_space<hbm>> -> memref<80x128xf32, #tpu.memory_space<hbm>>
      %dma_start3A_257 = arith.constant 0 : i32
      %dma_start3A_258 = tpu.memref_slice %arg4[%add3A_254, %dma_start3A_257] : memref<320000x128xf32, #tpu.memory_space<hbm>> -> memref<80x128xf32, #tpu.memory_space<hbm>>
      tpu.enqueue_dma source(%arg12 : memref<80x128xf32, #tpu.memory_space<vmem>>) target(%dma_start3A_258 : memref<80x128xf32, #tpu.memory_space<hbm>>) target_semaphore(%arg24 : memref<!tpu.dma_semaphore, #tpu.memory_space<semaphore_mem>>)
      %lt3A_259 = arith.constant 30 : i32
      %lt3A_260 = arith.cmpi slt, %scan3A_158, %lt3A_259 : i32
      %convert_element_type3A_261 = arith.extui %lt3A_260 : i1 to i32
      %cond3A_262 = arith.constant 0 : i32
      %cond3A_263 = arith.cmpi ne, %convert_element_type3A_261, %cond3A_262 : i32
      scf.if %cond3A_263 {
        %add3A_281 = arith.constant 4 : i32
        %add3A_282 = arith.addi %mul3A_160, %add3A_281 : i32
        %add3A_283 = arith.constant 2 : i32
        %add3A_284 = arith.addi %add3A_282, %add3A_283 : i32
        %mul3A_285 = arith.constant 80 : i32
        %mul3A_286 = arith.muli %add3A_284, %mul3A_285 : i32
        %add3A_287 = arith.addi %mul3A_2, %mul3A_286 : i32
        %dma_start3A_288 = tpu.memref_slice %arg2[%add3A_287] : memref<640000xi32, #tpu.memory_space<hbm>> -> memref<80xi32, #tpu.memory_space<hbm>>
        %dma_start3A_289 = tpu.memref_slice %arg2[%add3A_287] : memref<640000xi32, #tpu.memory_space<hbm>> -> memref<80xi32, #tpu.memory_space<hbm>>
        tpu.enqueue_dma source(%dma_start3A_289 : memref<80xi32, #tpu.memory_space<hbm>>) target(%arg8 : memref<80xi32, #tpu.memory_space<vmem>>) target_semaphore(%arg16 : memref<!tpu.dma_semaphore, #tpu.memory_space<semaphore_mem>>)
      } else {
      }
      %dma_wait3A_264 = arith.constant 0 : i32
      %dma_wait3A_265 = arith.constant 0 : i32
      %dma_wait3A_266 = tpu.memref_slice %arg5[%dma_wait3A_264, %dma_wait3A_265] : memref<10000x128xf32, #tpu.memory_space<vmem_shared>> -> memref<10000x128xf32, #tpu.memory_space<vmem_shared>>
      tpu.wait_indirect_dma semaphore(%arg21 : memref<!tpu.dma_semaphore, #tpu.memory_space<semaphore_mem>>) src(%dma_wait3A_266 : memref<10000x128xf32, #tpu.memory_space<vmem_shared>>) dst(%arg13 : memref<80x128xf32, #tpu.memory_space<vmem>>)
      %add3A_267 = arith.constant 3 : i32
      %add3A_268 = arith.addi %mul3A_160, %add3A_267 : i32
      %mul3A_269 = arith.constant 80 : i32
      %mul3A_270 = arith.muli %add3A_268, %mul3A_269 : i32
      %add3A_271 = arith.addi %mul3A_2, %mul3A_270 : i32
      %dma_start3A_272 = arith.constant 0 : i32
      %dma_start3A_273 = tpu.memref_slice %arg4[%add3A_271, %dma_start3A_272] : memref<320000x128xf32, #tpu.memory_space<hbm>> -> memref<80x128xf32, #tpu.memory_space<hbm>>
      %dma_start3A_274 = arith.constant 0 : i32
      %dma_start3A_275 = tpu.memref_slice %arg4[%add3A_271, %dma_start3A_274] : memref<320000x128xf32, #tpu.memory_space<hbm>> -> memref<80x128xf32, #tpu.memory_space<hbm>>
      tpu.enqueue_dma source(%arg13 : memref<80x128xf32, #tpu.memory_space<vmem>>) target(%dma_start3A_275 : memref<80x128xf32, #tpu.memory_space<hbm>>) target_semaphore(%arg25 : memref<!tpu.dma_semaphore, #tpu.memory_space<semaphore_mem>>)
      %lt3A_276 = arith.constant 30 : i32
      %lt3A_277 = arith.cmpi slt, %scan3A_158, %lt3A_276 : i32
      %convert_element_type3A_278 = arith.extui %lt3A_277 : i1 to i32
      %cond3A_279 = arith.constant 0 : i32
      %cond3A_280 = arith.cmpi ne, %convert_element_type3A_278, %cond3A_279 : i32
      scf.if %cond3A_280 {
        %add3A_281 = arith.constant 4 : i32
        %add3A_282 = arith.addi %mul3A_160, %add3A_281 : i32
        %add3A_283 = arith.constant 3 : i32
        %add3A_284 = arith.addi %add3A_282, %add3A_283 : i32
        %mul3A_285 = arith.constant 80 : i32
        %mul3A_286 = arith.muli %add3A_284, %mul3A_285 : i32
        %add3A_287 = arith.addi %mul3A_2, %mul3A_286 : i32
        %dma_start3A_288 = tpu.memref_slice %arg2[%add3A_287] : memref<640000xi32, #tpu.memory_space<hbm>> -> memref<80xi32, #tpu.memory_space<hbm>>
        %dma_start3A_289 = tpu.memref_slice %arg2[%add3A_287] : memref<640000xi32, #tpu.memory_space<hbm>> -> memref<80xi32, #tpu.memory_space<hbm>>
        tpu.enqueue_dma source(%dma_start3A_289 : memref<80xi32, #tpu.memory_space<hbm>>) target(%arg9 : memref<80xi32, #tpu.memory_space<vmem>>) target_semaphore(%arg17 : memref<!tpu.dma_semaphore, #tpu.memory_space<semaphore_mem>>)
      } else {
      }
    }
    %scan3A_107 = arith.constant 30 : i32
    %add3A_108 = arith.constant 9920 : i32
    %add3A_109 = arith.addi %mul3A_2, %add3A_108 : i32
    %dma_start3A_110 = tpu.memref_slice %arg2[%add3A_109] : memref<640000xi32, #tpu.memory_space<hbm>> -> memref<80xi32, #tpu.memory_space<hbm>>
    %dma_start3A_111 = tpu.memref_slice %arg2[%add3A_109] : memref<640000xi32, #tpu.memory_space<hbm>> -> memref<80xi32, #tpu.memory_space<hbm>>
    tpu.enqueue_dma source(%dma_start3A_111 : memref<80xi32, #tpu.memory_space<hbm>>) target(%arg6 : memref<80xi32, #tpu.memory_space<vmem>>) target_semaphore(%arg14 : memref<!tpu.dma_semaphore, #tpu.memory_space<semaphore_mem>>)
    %add3A_112 = arith.constant 9920 : i32
    %add3A_113 = arith.addi %mul3A_2, %add3A_112 : i32
    %dma_wait3A_114 = tpu.memref_slice %arg2[%add3A_113] : memref<640000xi32, #tpu.memory_space<hbm>> -> memref<80xi32, #tpu.memory_space<hbm>>
    %dma_wait3A_115 = tpu.memref_slice %arg2[%add3A_113] : memref<640000xi32, #tpu.memory_space<hbm>> -> memref<80xi32, #tpu.memory_space<hbm>>
    tpu.wait_dma2 semaphore(%arg14 : memref<!tpu.dma_semaphore, #tpu.memory_space<semaphore_mem>>) src(%dma_wait3A_115 : memref<80xi32, #tpu.memory_space<hbm>>) dst(%arg6 : memref<80xi32, #tpu.memory_space<vmem>>)
    %add3A_116 = arith.constant 0 : i32
    %add3A_117 = arith.addi %mul3A_2, %add3A_116 : i32
    %dma_wait3A_118 = arith.constant 0 : i32
    %dma_wait3A_119 = tpu.memref_slice %arg4[%add3A_117, %dma_wait3A_118] : memref<320000x128xf32, #tpu.memory_space<hbm>> -> memref<80x128xf32, #tpu.memory_space<hbm>>
    %dma_wait3A_120 = arith.constant 0 : i32
    %dma_wait3A_121 = tpu.memref_slice %arg4[%add3A_117, %dma_wait3A_120] : memref<320000x128xf32, #tpu.memory_space<hbm>> -> memref<80x128xf32, #tpu.memory_space<hbm>>
    tpu.wait_dma2 semaphore(%arg22 : memref<!tpu.dma_semaphore, #tpu.memory_space<semaphore_mem>>) src(%arg10 : memref<80x128xf32, #tpu.memory_space<vmem>>) dst(%dma_wait3A_121 : memref<80x128xf32, #tpu.memory_space<hbm>>)
    %dma_start3A_122 = arith.constant 0 : i32
    %dma_start3A_123 = arith.constant 0 : i32
    %dma_start3A_124 = tpu.memref_slice %arg5[%dma_start3A_122, %dma_start3A_123] : memref<10000x128xf32, #tpu.memory_space<vmem_shared>> -> memref<10000x128xf32, #tpu.memory_space<vmem_shared>>
    tpu.enqueue_indirect_dma source(%dma_start3A_124 : memref<10000x128xf32, #tpu.memory_space<vmem_shared>>) target(%arg10 : memref<80x128xf32, #tpu.memory_space<vmem>>) offsets(%arg6 : memref<80xi32, #tpu.memory_space<vmem>>) semaphore(%arg18 : memref<!tpu.dma_semaphore, #tpu.memory_space<semaphore_mem>>)
    %dma_wait3A_125 = arith.constant 0 : i32
    %dma_wait3A_126 = arith.constant 0 : i32
    %dma_wait3A_127 = tpu.memref_slice %arg5[%dma_wait3A_125, %dma_wait3A_126] : memref<10000x128xf32, #tpu.memory_space<vmem_shared>> -> memref<10000x128xf32, #tpu.memory_space<vmem_shared>>
    tpu.wait_indirect_dma semaphore(%arg18 : memref<!tpu.dma_semaphore, #tpu.memory_space<semaphore_mem>>) src(%dma_wait3A_127 : memref<10000x128xf32, #tpu.memory_space<vmem_shared>>) dst(%arg10 : memref<80x128xf32, #tpu.memory_space<vmem>>)
    %add3A_128 = arith.constant 9920 : i32
    %add3A_129 = arith.addi %mul3A_2, %add3A_128 : i32
    %dma_start3A_130 = arith.constant 0 : i32
    %dma_start3A_131 = tpu.memref_slice %arg4[%add3A_129, %dma_start3A_130] : memref<320000x128xf32, #tpu.memory_space<hbm>> -> memref<80x128xf32, #tpu.memory_space<hbm>>
    %dma_start3A_132 = arith.constant 0 : i32
    %dma_start3A_133 = tpu.memref_slice %arg4[%add3A_129, %dma_start3A_132] : memref<320000x128xf32, #tpu.memory_space<hbm>> -> memref<80x128xf32, #tpu.memory_space<hbm>>
    tpu.enqueue_dma source(%arg10 : memref<80x128xf32, #tpu.memory_space<vmem>>) target(%dma_start3A_133 : memref<80x128xf32, #tpu.memory_space<hbm>>) target_semaphore(%arg22 : memref<!tpu.dma_semaphore, #tpu.memory_space<semaphore_mem>>)
    %add3A_134 = arith.constant 0 : i32
    %add3A_135 = arith.addi %mul3A_2, %add3A_134 : i32
    %dma_wait3A_136 = arith.constant 0 : i32
    %dma_wait3A_137 = tpu.memref_slice %arg4[%add3A_135, %dma_wait3A_136] : memref<320000x128xf32, #tpu.memory_space<hbm>> -> memref<80x128xf32, #tpu.memory_space<hbm>>
    %dma_wait3A_138 = arith.constant 0 : i32
    %dma_wait3A_139 = tpu.memref_slice %arg4[%add3A_135, %dma_wait3A_138] : memref<320000x128xf32, #tpu.memory_space<hbm>> -> memref<80x128xf32, #tpu.memory_space<hbm>>
    tpu.wait_dma2 semaphore(%arg22 : memref<!tpu.dma_semaphore, #tpu.memory_space<semaphore_mem>>) src(%arg10 : memref<80x128xf32, #tpu.memory_space<vmem>>) dst(%dma_wait3A_139 : memref<80x128xf32, #tpu.memory_space<hbm>>)
    %add3A_140 = arith.constant 0 : i32
    %add3A_141 = arith.addi %mul3A_2, %add3A_140 : i32
    %dma_wait3A_142 = arith.constant 0 : i32
    %dma_wait3A_143 = tpu.memref_slice %arg4[%add3A_141, %dma_wait3A_142] : memref<320000x128xf32, #tpu.memory_space<hbm>> -> memref<80x128xf32, #tpu.memory_space<hbm>>
    %dma_wait3A_144 = arith.constant 0 : i32
    %dma_wait3A_145 = tpu.memref_slice %arg4[%add3A_141, %dma_wait3A_144] : memref<320000x128xf32, #tpu.memory_space<hbm>> -> memref<80x128xf32, #tpu.memory_space<hbm>>
    tpu.wait_dma2 semaphore(%arg23 : memref<!tpu.dma_semaphore, #tpu.memory_space<semaphore_mem>>) src(%arg11 : memref<80x128xf32, #tpu.memory_space<vmem>>) dst(%dma_wait3A_145 : memref<80x128xf32, #tpu.memory_space<hbm>>)
    %add3A_146 = arith.constant 0 : i32
    %add3A_147 = arith.addi %mul3A_2, %add3A_146 : i32
    %dma_wait3A_148 = arith.constant 0 : i32
    %dma_wait3A_149 = tpu.memref_slice %arg4[%add3A_147, %dma_wait3A_148] : memref<320000x128xf32, #tpu.memory_space<hbm>> -> memref<80x128xf32, #tpu.memory_space<hbm>>
    %dma_wait3A_150 = arith.constant 0 : i32
    %dma_wait3A_151 = tpu.memref_slice %arg4[%add3A_147, %dma_wait3A_150] : memref<320000x128xf32, #tpu.memory_space<hbm>> -> memref<80x128xf32, #tpu.memory_space<hbm>>
    tpu.wait_dma2 semaphore(%arg24 : memref<!tpu.dma_semaphore, #tpu.memory_space<semaphore_mem>>) src(%arg12 : memref<80x128xf32, #tpu.memory_space<vmem>>) dst(%dma_wait3A_151 : memref<80x128xf32, #tpu.memory_space<hbm>>)
    %add3A_152 = arith.constant 0 : i32
    %add3A_153 = arith.addi %mul3A_2, %add3A_152 : i32
    %dma_wait3A_154 = arith.constant 0 : i32
    %dma_wait3A_155 = tpu.memref_slice %arg4[%add3A_153, %dma_wait3A_154] : memref<320000x128xf32, #tpu.memory_space<hbm>> -> memref<80x128xf32, #tpu.memory_space<hbm>>
    %dma_wait3A_156 = arith.constant 0 : i32
    %dma_wait3A_157 = tpu.memref_slice %arg4[%add3A_153, %dma_wait3A_156] : memref<320000x128xf32, #tpu.memory_space<hbm>> -> memref<80x128xf32, #tpu.memory_space<hbm>>
    tpu.wait_dma2 semaphore(%arg25 : memref<!tpu.dma_semaphore, #tpu.memory_space<semaphore_mem>>) src(%arg13 : memref<80x128xf32, #tpu.memory_space<vmem>>) dst(%dma_wait3A_157 : memref<80x128xf32, #tpu.memory_space<hbm>>)
    return
  }
}

</mosaic_0001>

<sc_bundles>
// kernel: kernel.3.cloned.1.call-start
scs
__scs_entry_jumppad:
0x0: {  	(pc) =	sbr.rel $0x88, $3  }
0x1: {  	(tag) =	ssettag $0x0;
	lr =	simm.s32 $0x1  }
0x2: {  	[smem:$0x3F9F] =	sst lr;
	_ =	strace $0xD0000000  }
0x3: {  	_ = 	snop  }
0x4: {  	_ = 	snop  }
0x5: {  	_ = 	snop  }
0x6: {  	_ = 	snop  }
0x7: {  	_ = 	snop  }
__scs_overlays_trampoline_lowered:
0x8: {  	[smem:$0x3FAE] =	sst s0  }
0x9: {  	[smem:$0x3FAF] =	sst s1  }
0xa: {  	[smem:$0x3FB0] =	sst s2  }
0xb: {  	[smem:$0x3FB1] =	sst s3  }
0xc: {  	[smem:$0x3FB2] =	sst s4  }
0xd: {  	[smem:$0x3FB3] =	sst s5  }
0xe: {  	[smem:$0x3FB4] =	sst s6  }
0xf: {  	[smem:$0x3FB5] =	sst s7  }
0x10: {  	[smem:$0x3FB6] =	sst s8  }
0x11: {  	[smem:$0x3FB7] =	sst s9;
	s0 =	simm.s32 @!p0 $0x0  }
0x12: {  	s1 =	sld [smem:$0x3F9D];
	s0 =	simm.s32 @p0 $0x1  }
0x13: {  	[smem:$0x3FB8] =	sst s0;
	s0 =	simm.s32 @!p1 $0x0  }
0x14: {  	s2 =	sld [smem:$0x3F9C];
	s0 =	simm.s32 @p1 $0x1  }
0x15: {  	[smem:$0x3FB9] =	sst s0;
	s0 =	simm.s32 @!p2 $0x0  }
0x16: {  	s3 =	sld [smem:$0x3FDB];
	s0 =	simm.s32 @p2 $0x1  }
0x17: {  	s4 =	simm.s32 $0x1BF5;
	[smem:$0x3FBB] =	sst s0  }
0x18: {  	s0 =	sld [smem:$0x3F9E];
	_ =	swait.ge [sflag:s4], $0x0  }
0x19: {  	s7 =	sld [smem:$0x3F9F]  }
0x1a: {  	s8 =	sadd.s32 $0xFFFFE003, lr  }
0x1b: {  	s9 =	sadd.s32 $0xFFFFFEF7, lr;
	s5 =	simm.s32 $0xFFFFFFFF;
	p2 =	slt.u32 s8, $0xFFFFF086  }
0x1c: {  	p1 =	slt.u32 s9, $0xF7A;
	s5 =	simm.s32 @!p2 $0x0  }
0x1d: {  	s5 =	simm.s32 @p1 $0x1;
	p0 =	seq.s32 s7, s2  }
0x1e: {  	s7 =	smul.u32 @!p0 $0xF7A, s2;
	p2 =	seq.s32 @!p0 s5, $0x0  }
0x1f: {  	s9 =	smul.u32 $0xF7A, s1;
	s8 =	simm.s32 @!p0 $0x1BF5;
	p2 =	por !p2, p0  }
0x20: {  	[sflag:s8] =	ssyncset.s32 @!p0 $0xFFFFF086;
	s6 =	sadd.s32 @!p0 s3, s7;
	s7 =	simm.s32 @!p0 $0x108  }
0x21: {  	s3 =	sadd.s32 s3, s9;
	s6 =	sadd.s32 @!p0 $0x88, s6;
	s7 =	simm.s32 @p2 $0x1082  }
0x22: {  	[simem:s7], [sflag:s8] =	dma.local @!p0 [hbm:s6], $0xF7A  }
0x23: {  	s9 =	sor.u32 $0xD0000000, s2;
	s6 =	simm.s32 $0x108;
	_ =	swait.ge @!p0 [sflag:s8], $0x0  }
0x24: {  	s3 =	sadd.s32 $0x88, s3;
	s6 =	simm.s32 @!p1 $0x1082;
	[sflag:s4] =	ssyncset.s32 $0xFFFFF086  }
0x25: {  	[simem:s6], [sflag:s4] =	dma.local [hbm:s3], $0xF7A  }
0x26: {  	[smem:$0x3F9F] =	sst s1;
	(tag) =	ssettag s2;
	_ =	strace s9  }
0x27: {  	s1 =	sld [smem:$0x3FAF]  }
0x28: {  	s2 =	sld [smem:$0x3FB0]  }
0x29: {  	s4 =	sld [smem:$0x3FB2]  }
0x2a: {  	p0 =	seq.s32 s5, $0x0;
	s5 =	sld [smem:$0x3FB3]  }
0x2b: {  	s6 =	sld [smem:$0x3FB4]  }
0x2c: {  	s7 =	sld [smem:$0x3FB5]  }
0x2d: {  	s3 =	simm.s32 $0x108;
	s8 =	sld [smem:$0x3FB6]  }
0x2e: {  	s3 =	simm.s32 @!p0 $0x1082;
	s9 =	sld [smem:$0x3FB7]  }
0x2f: {  	lr =	sadd.s32 s0, s3;
	s0 =	sld [smem:$0x3FAE]  }
0x30: {  	s3 =	sld [smem:$0x3FB1]  }
0x31: {  	[smem:$0x3FBA] =	sst s10  }
0x32: {  	s10 =	sld [smem:$0x3FB8];
	_ =	sdelay $0x3  }
0x33: {  	p0 =	seq.s32 s10, $0x1;
	s10 =	sld [smem:$0x3FBA];
	_ =	sdelay $0x3  }
0x34: {  	[smem:$0x3FBA] =	sst s10  }
0x35: {  	s10 =	sld [smem:$0x3FB9];
	_ =	sdelay $0x3  }
0x36: {  	p1 =	seq.s32 s10, $0x1;
	s10 =	sld [smem:$0x3FBA];
	_ =	sdelay $0x3  }
0x37: {  	[smem:$0x3FBA] =	sst s10  }
0x38: {  	s10 =	sld [smem:$0x3FBB]  }
0x39: {  	_ = 	snop;
	(pc) =	sbr.ind lr, $3  }
0x3a: {  	_ = 	snop  }
0x3b: {  	_ = 	snop  }
0x3c: {  	p2 =	seq.s32 s10, $0x1;
	s10 =	sld [smem:$0x3FBA]  }
0x3d: {  	_ =	shalt  }
0x3e: {  	_ =	shalt  }
0x3f: {  	_ =	shalt  }
0x40: {  	_ =	shalt  }
0x41: {  	_ =	shalt  }
0x42: {  	_ =	shalt  }
0x43: {  	_ =	shalt  }
0x44: {  	_ =	shalt  }
0x45: {  	_ =	shalt  }
0x46: {  	_ =	shalt  }
0x47: {  	_ =	shalt  }
0x48: {  	_ =	shalt  }
0x49: {  	_ =	shalt  }
0x4a: {  	_ =	shalt  }
0x4b: {  	_ =	shalt  }
0x4c: {  	_ =	shalt  }
0x4d: {  	_ =	shalt  }
0x4e: {  	_ =	shalt  }
0x4f: {  	_ =	shalt  }
0x50: {  	_ =	shalt  }
0x51: {  	_ =	shalt  }
0x52: {  	_ =	shalt  }
0x53: {  	_ =	shalt  }
0x54: {  	_ =	shalt  }
0x55: {  	_ =	shalt  }
0x56: {  	_ =	shalt  }
0x57: {  	_ =	shalt  }
0x58: {  	_ =	shalt  }
0x59: {  	_ =	shalt  }
0x5a: {  	_ =	shalt  }
0x5b: {  	_ =	shalt  }
0x5c: {  	_ =	shalt  }
0x5d: {  	_ =	shalt  }
0x5e: {  	_ =	shalt  }
0x5f: {  	_ =	shalt  }
0x60: {  	_ =	shalt  }
0x61: {  	_ =	shalt  }
0x62: {  	_ =	shalt  }
0x63: {  	_ =	shalt  }
0x64: {  	_ =	shalt  }
0x65: {  	_ =	shalt  }
0x66: {  	_ =	shalt  }
0x67: {  	_ =	shalt  }
0x68: {  	_ =	shalt  }
0x69: {  	_ =	shalt  }
0x6a: {  	_ =	shalt  }
0x6b: {  	_ =	shalt  }
0x6c: {  	_ =	shalt  }
0x6d: {  	_ =	shalt  }
0x6e: {  	_ =	shalt  }
0x6f: {  	_ =	shalt  }
0x70: {  	_ =	shalt  }
0x71: {  	_ =	shalt  }
0x72: {  	_ =	shalt  }
0x73: {  	_ =	shalt  }
0x74: {  	_ =	shalt  }
0x75: {  	_ =	shalt  }
0x76: {  	_ =	shalt  }
0x77: {  	_ =	shalt  }
0x78: {  	_ =	shalt  }
0x79: {  	_ =	shalt  }
0x7a: {  	_ =	shalt  }
0x7b: {  	_ =	shalt  }
0x7c: {  	_ =	shalt  }
0x7d: {  	_ =	shalt  }
0x7e: {  	_ =	shalt  }
0x7f: {  	_ =	shalt  }
0x80: {  	_ =	shalt  }
0x81: {  	_ =	shalt  }
0x82: {  	_ =	shalt  }
0x83: {  	_ =	shalt  }
0x84: {  	_ =	shalt  }
0x85: {  	_ =	shalt  }
0x86: {  	_ =	shalt  }
0x87: {  	_ =	shalt  }
.Lfunc_end0:
.L_simem_size_0:
called_computation_lowered:
.L_overlay_start_0:
0x88: {  	s2 =	sld [smem:$0x3FD9]  }
0x89: {  	s3 =	sld [smem:$0x3FFE];
	_ =	sdelay $0x1  }
0x8a: {  	s1 =	srdreg.scid  }
0x8b: {  	s0 =	sand.u32 $0x1, s1  }
0x8c: {  	s15 =	sshll.u32 s0, $0xA;
	s2 =	sadd.s32 s3, s2  }
0x8d: {  	s2 =	sadd.s32 s2, s15  }
0x8e: {  	[smem:$0x3FC6] =	sst s2  }
0x8f: {  	_ = 	snop  }
0x90: {  	s2 =	sld [smem:$0x3FD0];
	_ =	sdelay $0x2  }
0x91: {  	s4 =	simm.s32 $0xA;
	s5 =	simm.s32 $0x10;
	s16 =	sld [smem:$0x3FC9]  }
0x92: {  	[smem:s5], [sflag:s4] =	dma.local [hbm:s2], $0x1  }
0x93: {  	_ =	swait.eq [sflag:s4], $0x1  }
0x94: {  	[sflag:s4] =	ssyncset.done $0x0  }
0x95: {  	s17 =	sld [smem:$0x11];
	[sflag:s4] =	ssyncadd.s32 $0xFFFFFFFF  }
0x96: {  	s18 =	sld [smem:$0x12];
	(tm) =	ssettm $0x1  }
0x97: {  	s19 =	sld [smem:$0x3FFB];
	_ =	sdelay $0x3  }
0x98: {  	_ =	strace s19  }
0x99: {  	s5 =	sld [smem:$0x3FFC];
	_ =	sdelay $0x3  }
0x9a: {  	_ =	strace s5  }
0x9b: {  	s5 =	sld [smem:$0x3FFD];
	_ =	sdelay $0x3  }
0x9c: {  	_ =	strace s5  }
0x9d: {  	_ =	strace $0x8FFFFFFF  }
0x9e: {  	s20 =	sld [smem:$0x3FDB];
	_ =	sdelay $0x1  }
0x9f: {  	s6 =	simm.s32 $_scs_section_size  }
0xa0: {  	s7 =	simm.s32 $_size__tile_overlayer_lowered;
	s8 =	simm.s32 $_tile_overlayer_lowered  }
0xa1: {  	s23 =	simm.s32 $0x1BFF;
	s22 =	sshll.u32 s8, $0x1;
	s5 =	sadd.s32 s6, s20  }
0xa2: {  	s9 =	simm.s32 $0x0;
	s21 =	sshll.u32 s7, $0x1;
	s7 =	sadd.s32 s22, s5  }
0xa3: {  	[timem:s9], [sflag:s23] =	dma.local [hbm:s7], s21  }
0xa4: {  	_ =	swait.ge [sflag:s23], s21  }
0xa5: {  	s6 =	ssub.s32 $0x0, s21;
	[sflag:s23] =	ssyncset.done $0x0  }
0xa6: {  	[sflag:s23] =	ssyncadd.s32 s6;
	_ =	sdelay $0x1  }
0xa7: {  	s24 =	simm.s32 $0x1B8B  }
0xa8: {  	_ =	swait.ge [sflag:s24], $0x1  }
0xa9: {  	[sflag:s24] =	ssyncset.done $0x0  }
0xaa: {  	s25 =	simm.s32 $0x1B8E;
	[sflag:s24] =	ssyncadd.s32 $0xFFFFFFFF  }
0xab: {  	s26 =	simm.s32 $execute0_lowered;
	[smem:$0x3FD2] =	sst s25  }
0xac: {  	s6 =	sshll.u32 s26, $0x1;
	_ =	strace $0x80000046;
	[dreg:$0x1] =	wrdreg $0xFFFFFFFF  }
0xad: {  	s28 =	simm.s32 $_size_execute0_lowered;
	s5 =	sadd.s32 s5, s6;
	[dreg:$0x0] =	wrdreg $0x0  }
0xae: {  	s6 =	sshll.u32 s28, $0x1;
	[dreg:$0x2] =	wrdreg s5  }
0xaf: {  	[dreg:$0x3] =	wrdreg s6  }
0xb0: {  	[dreg:$0x4] =	wrdreg $0xC0  }
0xb1: {  	_ =	task [dreg:s9], $0x5FFFF  }
0xb2: {  	[dreg:$0x1] =	wrdreg $0xFFFFFFFF  }
0xb3: {  	[dreg:$0x0] =	wrdreg $0x60  }
0xb4: {  	[dreg:$0x2] =	wrdreg s17  }
0xb5: {  	[dreg:$0x3] =	wrdreg s16  }
0xb6: {  	[dreg:$0x4] =	wrdreg s18  }
0xb7: {  	[dreg:$0x5] =	wrdreg $0x0  }
0xb8: {  	[dreg:$0x6] =	wrdreg $0x9  }
0xb9: {  	_ =	task.clear_ibuf [dreg:s9], $0x7FFFF;
	_ =	strace $0x90000046  }
0xba: {  	s29 =	simm.s32 $0x9;
	_ =	strace $0x80000048  }
0xbb: {  	_ =	swait.ge [sflag:s29], $0x1  }
0xbc: {  	[sflag:s29] =	ssyncadd.s32 $0xFFFFFFFF  }
0xbd: {  	_ =	strace $0x90000048  }
0xbe: {  	_ =	sfence  }
0xbf: {  	s30 =	sld [smem:$0x0];
	_ =	sdelay $0x2  }
0xc0: {  	s31 =	sshll.u32 s1, $0xD;
	s1 =	sshrl.u32 s1, $0x2  }
0xc1: {  	s3 =	sand.u32 $0x4000, s31;
	s1 =	sadd.s32 s1, s30  }
0xc2: {  	s0 =	sor.u32 s3, s0;
	s1 =	sshll.u32 s1, $0x11  }
0xc3: {  	s0 =	sor.u32 s1, s0  }
0xc4: {  	s0 =	sadd.s32 $0x8F2B, s0  }
0xc5: {  	[sflag:s0] =	ssyncadd.remote.s32 $0x1  }
0xc6: {  	_ =	sfence.sel $0xFFFF  }
0xc7: {  	[dreg:$0x0] =	wrdreg $0xFFFFFFFF;
	(pc) =	sbr.abs _section_cstart, $3  }
0xc8: {  	[dreg:$0x1] =	wrdreg $0xFFFFFFFF  }
0xc9: {  	_ =	task.clear_ibuf [dreg:s9], $0x2FFFF;
	_ =	strace $0x9FFFFFFF  }
0xca: {  	(tm) =	ssettm $0x7FFFFFFF  }
0xcb: {  	_ =	shalt  }
tec
execute0_lowered:
.L_overlay_start_1:
0x0: {  	(tag) =	ssettag $0x1  }
0x1: {  	s0 =	rddreg [dreg:$0x0]  }
0x2: {  	s16 =	rddreg [dreg:$0x1]  }
0x3: {  	s1 =	srdreg.scid;
	s2 =	rddreg [dreg:$0x2]  }
0x4: {  	s15 =	stileid.u32;
	s3 =	rddreg [dreg:$0x3]  }
0x5: {  	s28 =	simm.s32 $0xC;
	s1 =	sand.u32 $0x1, s1;
	s19 =	smul.u32 $0x4E000, s15  }
0x6: {  	s4 =	sshll.u32 s15, $0x1;
	s23 =	sadd.s32 $0x24900, s16;
	s25 =	smul.u32 $0x4E20, s15  }
0x7: {  	p0 =	seq.s32 s15, $0xF;
	s5 =	sor.u32 s1, s4;
	s31 =	smul.u32 $0x2710, s1  }
0x8: {  	s4 =	simm.s32 $0x0;
	s7 =	ssub.s32 $0x2, s1;
	s1 =	smul.u32 $0x27100, s1  }
0x9: {  	s6 =	smul.u32 $0x2710, s5;
	[smem:$0x7FF] =	sst s4;
	s9 =	sshrl.u32 s7, $0x1  }
0xa: {  	s5 =	smul.u32 $0x27100, s5;
	_ =	strace $0x80000047;
	s7 =	ssub.s32 s7, s9  }
0xb: {  	[dreg:$0xa] =	wrdreg s23;
	s8 =	sadd.s32 $0x50, s6;
	s10 =	sshrl.u32 s6, $0x3  }
0xc: {  	s17 =	sadd.s32 $0xA0, s6;
	s18 =	sadd.s32 $0xF0, s6;
	s6 =	sadd.s32 $0x26C0, s6  }
0xd: {  	s23 =	smax.u32 s7, $0x1;
	s7 =	simm.s32 $0x13A00;
	s11 =	sshrl.u32 s8, $0x3  }
0xe: {  	s21 =	sadd.s32 s0, s10;
	s12 =	sshrl.u32 s17, $0x3;
	s13 =	sshrl.u32 s18, $0x3  }
0xf: {  	s8 =	sshll.u32 s8, $0x4;
	s26 =	sshll.u32 s17, $0x4;
	s29 =	sshll.u32 s18, $0x4  }
0x10: {  	[dreg:$0x12] =	wrdreg s23;
	s10 =	simm.s32 $0x13A80;
	s23 =	simm.s32 $0xA  }
0x11: {  	s14 =	sadd.s32 s0, s11;
	s12 =	sadd.s32 s0, s12;
	[dreg:$0x5] =	wrdreg s21  }
0x12: {  	s20 =	sadd.s32 s0, s13;
	s11 =	sshrl.u32 s19, $0x2;
	[dreg:$0x6] =	wrdreg s14  }
0x13: {  	s13 =	sadd.s32 s2, s5;
	s24 =	sadd.s32 s2, s8;
	[dreg:$0x7] =	wrdreg s12  }
0x14: {  	s8 =	sadd.s32 s2, s26;
	s9 =	sadd.s32 s2, s29;
	[dreg:$0x8] =	wrdreg s20  }
0x15: {  	s5 =	sadd.s32 s31, s25;
	s25 =	sadd.s32 $0x32, s21;
	[dreg:$0xc] =	wrdreg s24  }
0x16: {  	s26 =	sadd.s32 $0x3C, s21;
	s29 =	sadd.s32 $0x46, s21;
	[dreg:$0xd] =	wrdreg s8  }
0x17: {  	s14 =	smul.u32 $0x2700, s15;
	s11 =	sadd.s32 s11, s3;
	[dreg:$0xe] =	wrdreg s9  }
0x18: {  	s12 =	sadd.s32 $0x124800, s3;
	s17 =	sadd.s32 $0x370, s5;
	[dreg:$0x16] =	wrdreg s25  }
0x19: {  	s19 =	sadd.s32 $0x320, s5;
	s20 =	sadd.s32 $0x2D0, s5;
	[dreg:$0x17] =	wrdreg s26  }
0x1a: {  	s5 =	sadd.s32 $0x280, s5;
	[dreg:$0x18] =	wrdreg s29;
	s30 =	sadd.s32 $0x25D00, s13  }
0x1b: {  	[dreg:$0xb] =	wrdreg s13;
	s31 =	sadd.s32 $0x26700, s13;
	s25 =	simm.s32 $0x9  }
0x1c: {  	s26 =	simm.s32 $0xB;
	s5 =	sshrl.u32 s5, $0x3;
	[dreg:$0x19] =	wrdreg s31  }
0x1d: {  	s22 =	sadd.s32 s16, s14;
	s14 =	sshrl.u32 s6, $0x3;
	s16 =	smul.u32 $0x4E200, s15  }
0x1e: {  	s6 =	sshll.u32 s6, $0x4;
	s15 =	simm.s32 $0x18A80;
	[dreg:$0x9] =	wrdreg s22  }
0x1f: {  	s8 =	sadd.s32 s0, s14;
	s22 =	sadd.s32 $0x28, s21;
	s14 =	simm.s32 $0x3  }
0x20: {  	[dreg:$0xf] =	wrdreg s8;
	s8 =	sshrl.u32 s17, $0x3;
	s9 =	sadd.s32 s16, s2  }
0x21: {  	s2 =	sadd.s32 s2, s6;
	s6 =	sshrl.u32 s20, $0x3;
	s20 =	sadd.s32 s5, s0  }
0x22: {  	[dreg:$0x11] =	wrdreg s22;
	s5 =	simm.s32 $0x4;
	s16 =	simm.s32 $0x5  }
0x23: {  	s22 =	simm.s32 $0x7;
	s17 =	simm.s32 $0x13880;
	[dreg:$0x10] =	wrdreg s2  }
0x24: {  	s18 =	sadd.s32 s8, s0;
	s1 =	sadd.s32 s1, s9;
	s2 =	sshrl.u32 s19, $0x3  }
0x25: {  	s19 =	sadd.s32 s6, s0;
	s6 =	simm.s32 $0x13980;
	s8 =	simm.s32 $0x1  }
.Ltmp0:
0x26: {  	s9 =	simm.s32 $0x50;
	[dreg:$0x1a] =	wrdreg s18;
	(pc) =	sbr.rel .LBB2_1-.Ltmp0, $4  }
0x27: {  	s18 =	sadd.s32 s2, s0;
	s24 =	sadd.s32 $0x2300, s1;
	s0 =	sshrl.u32 @p0 s12, $0x3  }
0x28: {  	s2 =	simm.s32 $0x13880;
	s12 =	simm.s32 $0x2;
	[dreg:$0x13] =	wrdreg s24  }
0x29: {  	s1 =	simm.s32 $0x0;
	[dreg:$0x14] =	wrdreg s0;
	s0 =	sshrl.u32 @!p0 s11, $0x3  }
0x2a: {  	s11 =	simm.s32 $0x1B280;
	s24 =	simm.s32 $0x8;
	[dreg:$0x15] =	wrdreg s0  }
.LBB2_4:
0x2b: {  	_ =	swait.ge [sflag:s24], $0x2800  }
0x2c: {  	[sflag:s24] =	ssyncset.done $0x0  }
0x2d: {  	s0 =	rddreg [dreg:$0x19];
	[sflag:s24] =	ssyncadd.s32 $0xFFFFD800  }
0x2e: {  	[hbm4b:s0+s4] =	stream.linear.scatter [tilespmem:s11], [sflag:$0xC], $0x2800, $0x38;
	[tilespmem:$0x1DA80] =	vst v63  }
0x2f: {  	s2 =	simm.s32 $0x13880;
	s21 =	rddreg [dreg:$0xf]  }
0x30: {  	[tilespmem:s2], [sflag:$0x1] =	stream.linear.gather [hbm4b:s21+s4], $0x50, $0x38;
	[tilespmem:$0x1DA80] =	vst v63  }
0x31: {  	_ =	swait.ge [sflag:s8], $0x50  }
0x32: {  	[sflag:s8] =	ssyncset.done $0x0  }
0x33: {  	[sflag:s8] =	ssyncadd.s32 $0xFFFFFFB0  }
0x34: {  	_ =	swait.ge [sflag:s25], $0x2800  }
0x35: {  	[sflag:s25] =	ssyncset.done $0x0  }
0x36: {  	[sflag:s25] =	ssyncadd.s32 $0xFFFFD800  }
0x37: {  	[tilespmem:s10], [sflag:$0x5] =	stream.indirect.gather [spmem:s3], $0x80, s2, s9, $0xb8;
	[tilespmem:$0x1DA80] =	vst v63  }
0x38: {  	_ =	swait.ge [sflag:s16], $0x2800  }
0x39: {  	[sflag:s16] =	ssyncset.done $0x0  }
0x3a: {  	s29 =	rddreg [dreg:$0x10];
	[sflag:s16] =	ssyncadd.s32 $0xFFFFD800  }
0x3b: {  	[hbm4b:s29+s4] =	stream.linear.scatter [tilespmem:s10], [sflag:$0x9], $0x2800, $0x38;
	[tilespmem:$0x1DA80] =	vst v63  }
0x3c: {  	_ =	swait.ge [sflag:s25], $0x2800  }
0x3d: {  	[sflag:s25] =	ssyncset.done $0x0  }
0x3e: {  	[sflag:s25] =	ssyncadd.s32 $0xFFFFD800  }
0x3f: {  	_ =	swait.ge [sflag:s23], $0x2800  }
0x40: {  	[sflag:s23] =	ssyncset.done $0x0  }
0x41: {  	[sflag:s23] =	ssyncadd.s32 $0xFFFFD800  }
0x42: {  	_ =	swait.ge [sflag:s26], $0x2800  }
0x43: {  	[sflag:s26] =	ssyncset.done $0x0  }
0x44: {  	[sflag:s26] =	ssyncadd.s32 $0xFFFFD800  }
0x45: {  	_ =	swait.ge [sflag:s28], $0x2800  }
0x46: {  	s1 =	rddreg [dreg:$0x1b]  }
0x47: {  	s31 =	rddreg [dreg:$0x12];
	s1 =	sadd.s32 $0x1, s1  }
0x48: {  	p1 =	sne.s32 s1, s31  }
.Ltmp1:
0x49: {  	_ = 	snop;
	(pc) =	sbr.rel @!p1 .LBB2_5-.Ltmp1, $3  }
0x4a: {  	_ =	sdelay $0x1  }
0x4b: {  	[sflag:s28] =	ssyncset.done $0x0  }
0x4c: {  	[sflag:s28] =	ssyncadd.s32 $0xFFFFD800  }
.LBB2_1:
0x4d: {  	[dreg:$0x1b] =	wrdreg s1  }
0x4e: {  	s0 =	rddreg [dreg:$0x5]  }
0x4f: {  	[tilespmem:s2], [sflag:$0x1] =	stream.linear.gather [hbm4b:s0+s4], $0x50, $0x38;
	[tilespmem:$0x1DA80] =	vst v63  }
0x50: {  	s1 =	rddreg [dreg:$0x6];
	s29 =	simm.s32 $0x13900  }
0x51: {  	[tilespmem:s29], [sflag:$0x2] =	stream.linear.gather [hbm4b:s1+s4], $0x50, $0x38;
	[tilespmem:$0x1DA80] =	vst v63  }
0x52: {  	s13 =	rddreg [dreg:$0x7]  }
0x53: {  	[tilespmem:s6], [sflag:$0x3] =	stream.linear.gather [hbm4b:s13+s4], $0x50, $0x38;
	[tilespmem:$0x1DA80] =	vst v63  }
0x54: {  	s21 =	rddreg [dreg:$0x8]  }
0x55: {  	[tilespmem:s7], [sflag:$0x4] =	stream.linear.gather [hbm4b:s21+s4], $0x50, $0x38;
	[tilespmem:$0x1DA80] =	vst v63  }
0x56: {  	_ =	swait.ge [sflag:s8], $0x50  }
0x57: {  	[sflag:s8] =	ssyncset.done $0x0  }
0x58: {  	[sflag:s8] =	ssyncadd.s32 $0xFFFFFFB0  }
0x59: {  	s1 =	rddreg [dreg:$0x1]  }
0x5a: {  	[tilespmem:s10], [sflag:$0x5] =	stream.indirect.gather [hbm4b:s1+s9], $0x80, s2, s9, $0xb8;
	[tilespmem:$0x1DA80] =	vst v63  }
0x5b: {  	_ =	swait.ge [sflag:s12], $0x50  }
0x5c: {  	[sflag:s12] =	ssyncset.done $0x0  }
0x5d: {  	s13 =	simm.s32 $0x16280;
	[sflag:s12] =	ssyncadd.s32 $0xFFFFFFB0  }
0x5e: {  	[tilespmem:s13], [sflag:$0x6] =	stream.indirect.gather [hbm4b:s1+s9], $0x80, s29, s9, $0xb8;
	[tilespmem:$0x1DA80] =	vst v63  }
0x5f: {  	_ =	swait.ge [sflag:s14], $0x50  }
0x60: {  	[sflag:s14] =	ssyncset.done $0x0  }
0x61: {  	[sflag:s14] =	ssyncadd.s32 $0xFFFFFFB0  }
0x62: {  	[tilespmem:s15], [sflag:$0x7] =	stream.indirect.gather [hbm4b:s1+s9], $0x80, s6, s9, $0xb8;
	[tilespmem:$0x1DA80] =	vst v63  }
0x63: {  	_ =	swait.ge [sflag:s5], $0x50  }
0x64: {  	[sflag:s5] =	ssyncset.done $0x0  }
0x65: {  	s0 =	rddreg [dreg:$0xa];
	[sflag:s5] =	ssyncadd.s32 $0xFFFFFFB0  }
0x66: {  	[tilespmem:s11], [sflag:$0x8] =	stream.indirect.gather [hbm4b:s1+s9], $0x80, s7, s9, $0xb8;
	[tilespmem:$0x1DA80] =	vst v63  }
0x67: {  	s21 =	rddreg [dreg:$0x14];
	s1 =	simm.s32 @p0 $0x1FCD  }
0x68: {  	[spmem:s21], [sflag:s1] =	dma.local @p0 [hbm:s0], $0x2800  }
0x69: {  	s1 =	simm.s32 @p0 $0xD  }
0x6a: {  	s0 =	stileid.u32;
	_ =	swait.ge @p0 [sflag:s1], $0x2800  }
0x6b: {  	s31 =	sshll.u32 @!p0 s0, $0x6;
	[sflag:s1] =	ssyncset.done @p0 $0x0;
	s0 =	rddreg [dreg:$0x9]  }
0x6c: {  	s21 =	rddreg [dreg:$0x15];
	[sflag:s1] =	ssyncadd.s32 @p0 $0xFFFFD800;
	s1 =	sor.u32 @!p0 $0x1C0D, s31  }
0x6d: {  	[spmem:s21], [sflag:s1] =	dma.local @!p0 [hbm:s0], $0x2700  }
0x6e: {  	s1 =	simm.s32 @!p0 $0xD  }
0x6f: {  	_ =	swait.ge @!p0 [sflag:s1], $0x2700  }
0x70: {  	[sflag:s1] =	ssyncset.done @!p0 $0x0  }
0x71: {  	[sflag:s1] =	ssyncadd.s32 @!p0 $0xFFFFD900  }
0x72: {  	[bflag:$0x0] =	sbarrier.arrive $0xFFFF  }
0x73: {  	_ =	swait.ge [sflag:s16], $0x2800  }
0x74: {  	[sflag:s16] =	ssyncset.done $0x0  }
0x75: {  	s21 =	rddreg [dreg:$0xb];
	[sflag:s16] =	ssyncadd.s32 $0xFFFFD800  }
0x76: {  	[hbm4b:s21+s4] =	stream.linear.scatter [tilespmem:s10], [sflag:$0x9], $0x2800, $0x38;
	[tilespmem:$0x1DA80] =	vst v63  }
0x77: {  	s1 =	rddreg [dreg:$0x11];
	s21 =	simm.s32 $0x6  }
0x78: {  	[tilespmem:s2], [sflag:$0x1] =	stream.linear.gather [hbm4b:s1+s4], $0x50, $0x38;
	[tilespmem:$0x1DA80] =	vst v63  }
0x79: {  	_ =	swait.ge [sflag:s21], $0x2800  }
0x7a: {  	[sflag:s21] =	ssyncset.done $0x0  }
0x7b: {  	s1 =	rddreg [dreg:$0xc];
	[sflag:s21] =	ssyncadd.s32 $0xFFFFD800  }
0x7c: {  	[hbm4b:s1+s4] =	stream.linear.scatter [tilespmem:s13], [sflag:$0xA], $0x2800, $0x38;
	[tilespmem:$0x1DA80] =	vst v63  }
0x7d: {  	s21 =	rddreg [dreg:$0x16]  }
0x7e: {  	[tilespmem:s29], [sflag:$0x2] =	stream.linear.gather [hbm4b:s21+s4], $0x50, $0x38;
	[tilespmem:$0x1DA80] =	vst v63  }
0x7f: {  	_ =	swait.ge [sflag:s22], $0x2800  }
0x80: {  	[sflag:s22] =	ssyncset.done $0x0  }
0x81: {  	s29 =	rddreg [dreg:$0xd];
	[sflag:s22] =	ssyncadd.s32 $0xFFFFD800  }
0x82: {  	[hbm4b:s29+s4] =	stream.linear.scatter [tilespmem:s15], [sflag:$0xB], $0x2800, $0x38;
	[tilespmem:$0x1DA80] =	vst v63  }
0x83: {  	s1 =	rddreg [dreg:$0x17]  }
0x84: {  	[tilespmem:s6], [sflag:$0x3] =	stream.linear.gather [hbm4b:s1+s4], $0x50, $0x38;
	[tilespmem:$0x1DA80] =	vst v63  }
0x85: {  	_ =	swait.ge [sflag:s24], $0x2800  }
0x86: {  	[sflag:s24] =	ssyncset.done $0x0;
	s21 =	rddreg [dreg:$0xe]  }
0x87: {  	s2 =	simm.s32 $0x16280;
	s29 =	rddreg [dreg:$0x18];
	[sflag:s24] =	ssyncadd.s32 $0xFFFFD800  }
0x88: {  	[hbm4b:s21+s4] =	stream.linear.scatter [tilespmem:s11], [sflag:$0xC], $0x2800, $0x38;
	[tilespmem:$0x1DA80] =	vst v63  }
0x89: {  	s13 =	simm.s32 $0x13900;
	s1 =	simm.s32 $0x0;
	s31 =	rddreg [dreg:$0x13]  }
0x8a: {  	[tilespmem:s7], [sflag:$0x4] =	stream.linear.gather [hbm4b:s29+s4], $0x50, $0x38;
	[tilespmem:$0x1DA80] =	vst v63  }
.LBB2_2:
0x8b: {  	_ =	swait.ge [sflag:s8], $0x50  }
0x8c: {  	[sflag:s8] =	ssyncset.done $0x0  }
0x8d: {  	[sflag:s8] =	ssyncadd.s32 $0xFFFFFFB0  }
0x8e: {  	_ =	swait.ge [sflag:s25], $0x2800  }
0x8f: {  	[sflag:s25] =	ssyncset.done $0x0  }
0x90: {  	[sflag:s25] =	ssyncadd.s32 $0xFFFFD800  }
0x91: {  	[tilespmem:s10], [sflag:$0x5] =	stream.indirect.gather [spmem:s3], $0x80, s17, s9, $0xb8;
	[tilespmem:$0x1DA80] =	vst v63  }
0x92: {  	_ =	swait.ge [sflag:s12], $0x50  }
0x93: {  	[sflag:s12] =	ssyncset.done $0x0  }
0x94: {  	[sflag:s12] =	ssyncadd.s32 $0xFFFFFFB0  }
0x95: {  	_ =	swait.ge [sflag:s23], $0x2800  }
0x96: {  	[sflag:s23] =	ssyncset.done $0x0  }
0x97: {  	[sflag:s23] =	ssyncadd.s32 $0xFFFFD800  }
0x98: {  	[tilespmem:s2], [sflag:$0x6] =	stream.indirect.gather [spmem:s3], $0x80, s13, s9, $0xb8;
	[tilespmem:$0x1DA80] =	vst v63  }
0x99: {  	_ =	swait.ge [sflag:s14], $0x50  }
0x9a: {  	[sflag:s14] =	ssyncset.done $0x0  }
0x9b: {  	[sflag:s14] =	ssyncadd.s32 $0xFFFFFFB0  }
0x9c: {  	_ =	swait.ge [sflag:s26], $0x2800  }
0x9d: {  	[sflag:s26] =	ssyncset.done $0x0  }
0x9e: {  	[sflag:s26] =	ssyncadd.s32 $0xFFFFD800  }
0x9f: {  	[tilespmem:s15], [sflag:$0x7] =	stream.indirect.gather [spmem:s3], $0x80, s6, s9, $0xb8;
	[tilespmem:$0x1DA80] =	vst v63  }
0xa0: {  	_ =	swait.ge [sflag:s5], $0x50  }
0xa1: {  	[sflag:s5] =	ssyncset.done $0x0  }
0xa2: {  	[sflag:s5] =	ssyncadd.s32 $0xFFFFFFB0  }
0xa3: {  	_ =	swait.ge [sflag:s28], $0x2800  }
0xa4: {  	[sflag:s28] =	ssyncset.done $0x0  }
0xa5: {  	[sflag:s28] =	ssyncadd.s32 $0xFFFFD800  }
0xa6: {  	[tilespmem:s11], [sflag:$0x8] =	stream.indirect.gather [spmem:s3], $0x80, s7, s9, $0xb8;
	[tilespmem:$0x1DA80] =	vst v63  }
0xa7: {  	_ =	swait.ge [sflag:s16], $0x2800  }
0xa8: {  	[sflag:s16] =	ssyncset.done $0x0  }
0xa9: {  	s21 =	sadd.s32 $0xFFFFF100, s31;
	p1 =	seq.s32 s1, $0x488;
	[sflag:s16] =	ssyncadd.s32 $0xFFFFD800  }
0xaa: {  	[hbm4b:s21+s4] =	stream.linear.scatter [tilespmem:s10], [sflag:$0x9], $0x2800, $0x38;
	[tilespmem:$0x1DA80] =	vst v63  }
0xab: {  	s21 =	simm.s32 @p1 $0x6  }
0xac: {  	_ =	swait.ge @p1 [sflag:s21], $0x2800  }
0xad: {  	[sflag:s21] =	ssyncset.done @p1 $0x0  }
0xae: {  	s29 =	simm.s32 @p1 $0x16280;
	[sflag:s21] =	ssyncadd.s32 @p1 $0xFFFFD800;
	s21 =	simm.s32 @p1 $0x0  }
0xaf: {  	[hbm4b:s30+s21] =	stream.linear.scatter @p1 [tilespmem:s29], [sflag:$0xA], $0x2800, $0x38;
	[tilespmem:$0x1DA80] =	vst v63  }
0xb0: {  	s0 =	simm.s32 @!p1 $0x13880;
	s21 =	sadd.s32 @!p1 s1, s20;
	s29 =	simm.s32 @!p1 $0x0  }
0xb1: {  	[tilespmem:s0], [sflag:$0x1] =	stream.linear.gather @!p1 [hbm4b:s21+s29], $0x50, $0x38;
	[tilespmem:$0x1DA80] =	vst v63  }
0xb2: {  	s0 =	simm.s32 @!p1 $0x6  }
0xb3: {  	_ =	swait.ge @!p1 [sflag:s0], $0x2800  }
0xb4: {  	[sflag:s0] =	ssyncset.done @!p1 $0x0  }
0xb5: {  	s21 =	simm.s32 @!p1 $0x16280;
	[sflag:s0] =	ssyncadd.s32 @!p1 $0xFFFFD800;
	s0 =	sadd.s32 @!p1 $0xFFFFF600, s31  }
0xb6: {  	[hbm4b:s0+s29] =	stream.linear.scatter @!p1 [tilespmem:s21], [sflag:$0xA], $0x2800, $0x38;
	[tilespmem:$0x1DA80] =	vst v63  }
0xb7: {  	s0 =	sadd.s32 @!p1 s1, s19;
	s21 =	simm.s32 @!p1 $0x13900  }
0xb8: {  	[tilespmem:s21], [sflag:$0x2] =	stream.linear.gather @!p1 [hbm4b:s0+s29], $0x50, $0x38;
	[tilespmem:$0x1DA80] =	vst v63  }
.Ltmp2:
0xb9: {  	_ = 	snop;
	(pc) =	sbr.rel @p1 .LBB2_4-.Ltmp2, $4  }
0xba: {  	_ =	swait.ge [sflag:s22], $0x2800  }
0xbb: {  	[sflag:s22] =	ssyncset.done $0x0  }
0xbc: {  	s29 =	sadd.s32 $0xFFFFFB00, s31;
	[sflag:s22] =	ssyncadd.s32 $0xFFFFD800  }
0xbd: {  	[hbm4b:s29+s4] =	stream.linear.scatter [tilespmem:s15], [sflag:$0xB], $0x2800, $0x38;
	[tilespmem:$0x1DA80] =	vst v63  }
0xbe: {  	s0 =	sadd.s32 s1, s18  }
0xbf: {  	[tilespmem:s6], [sflag:$0x3] =	stream.linear.gather [hbm4b:s0+s4], $0x50, $0x38;
	[tilespmem:$0x1DA80] =	vst v63  }
0xc0: {  	_ =	swait.ge [sflag:s24], $0x2800  }
.Ltmp3:
0xc1: {  	[sflag:s24] =	ssyncset.done $0x0;
	(pc) =	sbr.rel .LBB2_2-.Ltmp3, $4  }
0xc2: {  	s29 =	rddreg [dreg:$0x1a];
	[sflag:s24] =	ssyncadd.s32 $0xFFFFD800  }
0xc3: {  	[hbm4b:s31+s4] =	stream.linear.scatter [tilespmem:s11], [sflag:$0xC], $0x2800, $0x38;
	[tilespmem:$0x1DA80] =	vst v63  }
0xc4: {  	s0 =	sadd.s32 s1, s29;
	s1 =	sadd.s32 $0x28, s1;
	s31 =	sadd.s32 $0x1400, s31  }
0xc5: {  	[tilespmem:s7], [sflag:$0x4] =	stream.linear.gather [hbm4b:s0+s4], $0x50, $0x38;
	[tilespmem:$0x1DA80] =	vst v63  }
.LBB2_5:
0xc6: {  	_ =	sfence.sel $0x180000  }
0xc7: {  	[bflag:$0x0] =	sbarrier.arrive $0xFFFF  }
0xc8: {  	_ =	strace $0x90000047  }
0xc9: {  	s0 =	stileid.u32;
	[bflag:$0x2] =	sbarrier.arrive $0xFFFF  }
0xca: {  	p0 =	sne.s32 s0, $0x0;
	s0 =	rddreg [dreg:$0x4]  }
0xcb: {  	s0 =	sadd.s32 @!p0 $0x100000, s0  }
0xcc: {  	[sflag:s0] =	ssyncadd.tile.s32 @!p0 $0x1;
	_ =	shalt  }
.Lfunc_end2:
_tile_overlayer_lowered:
.L_overlay_start_2:
0xcd: {  	(tag) =	ssettag $0x2  }
0xce: {  	s0 =	rddreg [dreg:$0x0];
	s2 =	stileid.u32  }
0xcf: {  	s1 =	rddreg [dreg:$0x1];
	p0 =	sne.s32 s2, $0x0  }
0xd0: {  	s3 =	rddreg [dreg:$0x2];
	[bflag:$0x3] =	sbarrier.arrive $0xFFFF;
	s2 =	simm.s32 @!p0 $0x1C0D  }
0xd1: {  	[timem:s3], [sflag:s2] =	dma.local @!p0 [hbm:s0], s1  }
0xd2: {  	s0 =	simm.s32 @!p0 $0xD  }
0xd3: {  	_ =	swait.ge @!p0 [sflag:s0], s1  }
0xd4: {  	s1 =	ssub.s32 @!p0 $0x0, s1;
	[sflag:s0] =	ssyncset.done @!p0 $0x0  }
0xd5: {  	[sflag:s0] =	ssyncadd.s32 @!p0 s1  }
0xd6: {  	[bflag:$0x3] =	sbarrier.arrive $0xFFFF  }
0xd7: {  	_ =	shalt  }

</sc_bundles>
